<compile_context>
chip_gen: v7x
topology: tpu7x:2x2x1
jax: 0.10.2.dev20260603
libtpu: 0.0.44.dev20260713+nightly
codegen_flags: <defaults>
</compile_context>

<pallas_src>
import functools

import jax
import jax.numpy as jnp
from jax import lax
from jax.experimental import pallas as pl
from jax.experimental.pallas import tpu as pltpu
from jax.experimental.pallas import tpu_sc as plsc

N_NODES = 10000
N_EDGES = 320000
DIM = 128
ALPHA = 0.2

NC, NS, L = 2, 16, 16
NW = NC * NS
CPT = DIM // NW
EB = 6400
NB = N_EDGES // EB
NBP = NB // 2
GPB = EB // L
DRNG = 320


def _sc_agg_body(ht_hbm, s1_hbm, s2_hbm, src_hbm, dst_hbm, num_out, den_out,
                 s1_v, s2_v, hcol_v, acc_v, den_v,
                 src_a, dst_a, src_b, dst_b, sem_a, sem_b):
  cid = lax.axis_index("c")
  sid = lax.axis_index("s")
  wid = sid * NC + cid
  zeros16 = jnp.zeros((L,), jnp.float32)

  pltpu.sync_copy(s1_hbm, s1_v)
  pltpu.sync_copy(s2_hbm, s2_v)
  pltpu.sync_copy(ht_hbm.at[wid], hcol_v)

  def _zero_acc(i, carry):
    for c in range(CPT):
      acc_v[c, pl.ds(L * i, L)] = zeros16
    return carry
  lax.fori_loop(0, N_NODES // L, _zero_acc, 0)

  def _zero_den(i, carry):
    den_v[pl.ds(L * i, L)] = zeros16
    return carry
  lax.fori_loop(0, DRNG // L, _zero_den, 0)

  dlo = wid * DRNG
  cvecs = [jnp.full((L,), c, jnp.int32) for c in range(CPT)]

  def _process(src_blk, dst_blk):
    @plsc.parallel_loop(0, GPB, unroll=4)
    def _group(j):
      sv = src_blk[pl.ds(L * j, L)]
      dv = dst_blk[pl.ds(L * j, L)]
      e = plsc.load_gather(s1_v, [sv]) + plsc.load_gather(s2_v, [dv])
      e = jnp.where(e > 0, e, ALPHA * e)
      p = jnp.exp(e)
      for c in range(CPT):
        hv = plsc.load_gather(hcol_v, [cvecs[c], sv])
        plsc.addupdate_scatter(acc_v, [cvecs[c], dv], hv * p)
      dloc = dv - dlo
      m = (dloc >= 0) & (dloc < DRNG)
      plsc.addupdate_scatter(den_v, [jnp.clip(dloc, 0, DRNG - 1)], p, mask=m)

  def _fire(b, sblk, dblk, sem):
    pltpu.async_copy(src_hbm.at[pl.ds(b * EB, EB)], sblk, sem)
    pltpu.async_copy(dst_hbm.at[pl.ds(b * EB, EB)], dblk, sem)

  def _wait(sblk, dblk, sem):
    pltpu.make_async_copy(src_hbm.at[pl.ds(0, EB)], sblk, sem).wait()
    pltpu.make_async_copy(dst_hbm.at[pl.ds(0, EB)], dblk, sem).wait()

  _fire(0, src_a, dst_a, sem_a)

  def _bpair(t, carry):
    _fire(2 * t + 1, src_b, dst_b, sem_b)
    _wait(src_a, dst_a, sem_a)
    _process(src_a, dst_a)

    @pl.when(t < NBP - 1)
    def _prefetch():
      _fire(2 * t + 2, src_a, dst_a, sem_a)

    _wait(src_b, dst_b, sem_b)
    _process(src_b, dst_b)
    return carry

  lax.fori_loop(0, NBP, _bpair, 0)

  pltpu.sync_copy(acc_v, num_out.at[wid])
  pltpu.sync_copy(den_v, den_out.at[pl.ds(dlo, DRNG)])


_sc_agg = functools.partial(
    pl.kernel,
    out_type=[
        jax.ShapeDtypeStruct((NW, CPT, N_NODES), jnp.float32),
        jax.ShapeDtypeStruct((NW * DRNG,), jnp.float32),
    ],
    mesh=plsc.VectorSubcoreMesh(core_axis_name="c", subcore_axis_name="s"),
    scratch_types=[
        pltpu.VMEM((N_NODES,), jnp.float32),
        pltpu.VMEM((N_NODES,), jnp.float32),
        pltpu.VMEM((CPT, N_NODES), jnp.float32),
        pltpu.VMEM((CPT, N_NODES), jnp.float32),
        pltpu.VMEM((DRNG,), jnp.float32),
        pltpu.VMEM((EB,), jnp.int32),
        pltpu.VMEM((EB,), jnp.int32),
        pltpu.VMEM((EB,), jnp.int32),
        pltpu.VMEM((EB,), jnp.int32),
        pltpu.SemaphoreType.DMA,
        pltpu.SemaphoreType.DMA,
    ],
    compiler_params=pltpu.CompilerParams(needs_layout_passes=False),
)(_sc_agg_body)


def _tc_prep_body(x_ref, w_ref, a8_ref, ht_ref, s_ref):
  ht = lax.dot_general(w_ref[...], x_ref[...], (((1,), (1,)), ((), ())),
                       preferred_element_type=jnp.float32)
  ht_ref[...] = ht
  s_ref[...] = lax.dot_general(a8_ref[...], ht, (((1,), (0,)), ((), ())),
                               preferred_element_type=jnp.float32)


_tc_prep = pl.pallas_call(
    _tc_prep_body,
    out_shape=[
        jax.ShapeDtypeStruct((DIM, N_NODES), jnp.float32),
        jax.ShapeDtypeStruct((8, N_NODES), jnp.float32),
    ],
)


def _tc_fin_body(numt_ref, den_ref, out_ref):
  att = numt_ref[...] / (den_ref[...] + 1e-10)
  att = jnp.where(att > 0, att, jnp.exp(att) - 1.0)
  out_ref[...] = att.T


_tc_fin = pl.pallas_call(
    _tc_fin_body,
    out_shape=jax.ShapeDtypeStruct((N_NODES, DIM), jnp.float32),
)


@jax.jit
def kernel(node_features, edge_index, W, a_w):
  a8 = jnp.zeros((8, DIM), jnp.float32)
  a8 = a8.at[0].set(a_w[0, :DIM]).at[1].set(a_w[0, DIM:])
  ht, s8 = _tc_prep(node_features, W, a8)
  ht4 = ht.reshape(NW, CPT, N_NODES)
  numt, den = _sc_agg(ht4, s8[0], s8[1], edge_index[0], edge_index[1])
  num128 = numt.reshape(DIM, N_NODES)
  den_row = den[:N_NODES].reshape(1, N_NODES)
  return _tc_fin(num128, den_row)

# --- scband reference (transcript-rebuilt; emitter-appended) ---
"""Pipeline reference for scband-gatlayer-5592047419814 (READ-ONLY COPY).

The authoritative reference and input builder live on the scoring server;
editing this copy changes nothing except your own understanding.
"""

import jax, jax.numpy as jnp
import numpy as np

N_NODES = 10000
N_EDGES = 320000
IN_DIM = 128
OUT_DIM = 128
ALPHA = 0.2


def _xavier_uniform(key, shape, gain):
    fan_out, fan_in = shape
    bound = gain * np.sqrt(6.0 / (fan_in + fan_out))
    return jax.random.uniform(key, shape, jnp.float32, minval=-bound, maxval=bound)


def setup_inputs(seed: int = 0) -> dict:
    key = jax.random.key(seed)
    k1, k2, k3, k4 = jax.random.split(key, 4)
    node_features = jax.random.normal(k1, (N_NODES, IN_DIM), dtype=jnp.float32)
    edge_index = jax.random.randint(k2, (2, N_EDGES), 0, N_NODES, dtype=jnp.int32)
    # nn.Linear(in_dim, out_dim, bias=False).weight has shape [out_dim, in_dim]
    W = _xavier_uniform(k3, (OUT_DIM, IN_DIM), 1.414)
    # nn.Linear(2*out_dim, 1, bias=False).weight has shape [1, 2*out_dim]
    a_w = _xavier_uniform(k4, (1, 2 * OUT_DIM), 1.414)
    return {"node_features": node_features, "edge_index": edge_index, "W": W, "a_w": a_w}


def reference(node_features, edge_index, W, a_w):
    num_nodes = node_features.shape[0]
    h = node_features @ W.T
    source_nodes = edge_index[0]
    target_nodes = edge_index[1]
    h_source = h[source_nodes]
    h_target = h[target_nodes]
    a_input = jnp.concatenate([h_source, h_target], axis=1)
    e = jax.nn.leaky_relu(a_input @ a_w.T, negative_slope=ALPHA)[:, 0]
    # segment softmax over edges grouped by target node (same math as the
    # unique/inverse-index formulation in the torch code: inverse indices just
    # relabel target ids, the grouping is identical)
    e_max = jax.ops.segment_max(e, target_nodes, num_segments=num_nodes)
    e_exp = jnp.exp(e - e_max[target_nodes])
    e_sum = jax.ops.segment_sum(e_exp, target_nodes, num_segments=num_nodes)
    attention = e_exp / (e_sum[target_nodes] + 1e-10)
    # dropout is identity in eval mode
    weighted_source_features = h_source * attention[:, None]
    h_prime = jax.ops.segment_sum(weighted_source_features, target_nodes, num_segments=num_nodes)
    return jax.nn.elu(h_prime)

if __name__ == "__main__":
    import jax
    _d = setup_inputs()
    print(jax.jit(kernel)(*tuple(_d.values())))

</pallas_src>

<mosaic_0001>
#map = affine_map<(d0, d1) -> (0, 0, 0)>
#map1 = affine_map<(d0, d1) -> (0)>
module attributes {stable_mosaic.version = 14 : i64} {
  func.func @_sc_agg_body(%arg0: i32, %arg1: i32, %arg2: memref<32x4x10000xf32, #tpu.memory_space<hbm>>, %arg3: memref<10000xf32, #tpu.memory_space<hbm>>, %arg4: memref<10000xf32, #tpu.memory_space<hbm>>, %arg5: memref<320000xi32, #tpu.memory_space<hbm>>, %arg6: memref<320000xi32, #tpu.memory_space<hbm>>, %arg7: memref<32x4x10000xf32, #tpu.memory_space<hbm>>, %arg8: memref<10240xf32, #tpu.memory_space<hbm>>, %arg9: memref<10000xf32, #tpu.memory_space<vmem>>, %arg10: memref<10000xf32, #tpu.memory_space<vmem>>, %arg11: memref<4x10000xf32, #tpu.memory_space<vmem>>, %arg12: memref<4x10000xf32, #tpu.memory_space<vmem>>, %arg13: memref<320xf32, #tpu.memory_space<vmem>>, %arg14: memref<6400xi32, #tpu.memory_space<vmem>>, %arg15: memref<6400xi32, #tpu.memory_space<vmem>>, %arg16: memref<6400xi32, #tpu.memory_space<vmem>>, %arg17: memref<6400xi32, #tpu.memory_space<vmem>>, %arg18: memref<!tpu.dma_semaphore, #tpu.memory_space<semaphore_mem>>, %arg19: memref<!tpu.dma_semaphore, #tpu.memory_space<semaphore_mem>>) attributes {dimension_semantics = [#tpu.dimension_semantics<core_parallel>, #tpu.dimension_semantics<subcore_parallel>], iteration_bounds = array<i64: 2, 16>, scalar_prefetch = 0 : i64, scratch_operands = 11 : i64, tpu.core_type = #tpu.core_type<sc_vector_subcore>, window_params = [{transform_indices = #map}, {transform_indices = #map1}, {transform_indices = #map1}, {transform_indices = #map1}, {transform_indices = #map1}, {transform_indices = #map}, {transform_indices = #map1}]} {
    %mul3A = arith.constant 2 : i32
    %mul3A_0 = arith.muli %arg1, %mul3A : i32
    %add3A = arith.addi %mul3A_0, %arg0 : i32
    %broadcast_in_dim3A = arith.constant 0.000000e+00 : f32
    %broadcast_in_dim3A_1 = vector.broadcast %broadcast_in_dim3A : f32 to vector<16xf32>
    "tpu.region"() ({
      %run_scoped3A = tpu.sem_alloc : memref<!tpu.dma_semaphore, #tpu.memory_space<semaphore_mem>>
      tpu.enqueue_dma source(%arg3 : memref<10000xf32, #tpu.memory_space<hbm>>) target(%arg9 : memref<10000xf32, #tpu.memory_space<vmem>>) target_semaphore(%run_scoped3A : memref<!tpu.dma_semaphore, #tpu.memory_space<semaphore_mem>>)
      tpu.wait_dma2 semaphore(%run_scoped3A : memref<!tpu.dma_semaphore, #tpu.memory_space<semaphore_mem>>) src(%arg3 : memref<10000xf32, #tpu.memory_space<hbm>>) dst(%arg9 : memref<10000xf32, #tpu.memory_space<vmem>>)
      tpu.yield
    }) : () -> ()
    "tpu.region"() ({
      %run_scoped3A = tpu.sem_alloc : memref<!tpu.dma_semaphore, #tpu.memory_space<semaphore_mem>>
      tpu.enqueue_dma source(%arg4 : memref<10000xf32, #tpu.memory_space<hbm>>) target(%arg10 : memref<10000xf32, #tpu.memory_space<vmem>>) target_semaphore(%run_scoped3A : memref<!tpu.dma_semaphore, #tpu.memory_space<semaphore_mem>>)
      tpu.wait_dma2 semaphore(%run_scoped3A : memref<!tpu.dma_semaphore, #tpu.memory_space<semaphore_mem>>) src(%arg4 : memref<10000xf32, #tpu.memory_space<hbm>>) dst(%arg10 : memref<10000xf32, #tpu.memory_space<vmem>>)
      tpu.yield
    }) : () -> ()
    "tpu.region"() ({
      %run_scoped3A = tpu.sem_alloc : memref<!tpu.dma_semaphore, #tpu.memory_space<semaphore_mem>>
      %dma_start3A_36 = arith.constant 0 : i32
      %dma_start3A_37 = arith.constant 0 : i32
      %dma_start3A_38 = tpu.memref_slice %arg2[%add3A, %dma_start3A_36, %dma_start3A_37] : memref<32x4x10000xf32, #tpu.memory_space<hbm>> -> memref<1x4x10000xf32, #tpu.memory_space<hbm>>
      %dma_start3A_39 = tpu.memref_squeeze %dma_start3A_38 : memref<1x4x10000xf32, #tpu.memory_space<hbm>> -> memref<4x10000xf32, #tpu.memory_space<hbm>>
      %dma_start3A_40 = arith.constant 0 : i32
      %dma_start3A_41 = arith.constant 0 : i32
      %dma_start3A_42 = tpu.memref_slice %arg2[%add3A, %dma_start3A_40, %dma_start3A_41] : memref<32x4x10000xf32, #tpu.memory_space<hbm>> -> memref<1x4x10000xf32, #tpu.memory_space<hbm>>
      %dma_start3A_43 = tpu.memref_squeeze %dma_start3A_42 : memref<1x4x10000xf32, #tpu.memory_space<hbm>> -> memref<4x10000xf32, #tpu.memory_space<hbm>>
      tpu.enqueue_dma source(%dma_start3A_43 : memref<4x10000xf32, #tpu.memory_space<hbm>>) target(%arg11 : memref<4x10000xf32, #tpu.memory_space<vmem>>) target_semaphore(%run_scoped3A : memref<!tpu.dma_semaphore, #tpu.memory_space<semaphore_mem>>)
      %dma_wait3A = arith.constant 0 : i32
      %dma_wait3A_44 = arith.constant 0 : i32
      %dma_wait3A_45 = tpu.memref_slice %arg2[%add3A, %dma_wait3A, %dma_wait3A_44] : memref<32x4x10000xf32, #tpu.memory_space<hbm>> -> memref<1x4x10000xf32, #tpu.memory_space<hbm>>
      %dma_wait3A_46 = tpu.memref_squeeze %dma_wait3A_45 : memref<1x4x10000xf32, #tpu.memory_space<hbm>> -> memref<4x10000xf32, #tpu.memory_space<hbm>>
      %dma_wait3A_47 = arith.constant 0 : i32
      %dma_wait3A_48 = arith.constant 0 : i32
      %dma_wait3A_49 = tpu.memref_slice %arg2[%add3A, %dma_wait3A_47, %dma_wait3A_48] : memref<32x4x10000xf32, #tpu.memory_space<hbm>> -> memref<1x4x10000xf32, #tpu.memory_space<hbm>>
      %dma_wait3A_50 = tpu.memref_squeeze %dma_wait3A_49 : memref<1x4x10000xf32, #tpu.memory_space<hbm>> -> memref<4x10000xf32, #tpu.memory_space<hbm>>
      tpu.wait_dma2 semaphore(%run_scoped3A : memref<!tpu.dma_semaphore, #tpu.memory_space<semaphore_mem>>) src(%dma_wait3A_50 : memref<4x10000xf32, #tpu.memory_space<hbm>>) dst(%arg11 : memref<4x10000xf32, #tpu.memory_space<vmem>>)
      tpu.yield
    }) : () -> ()
    %scan3A = arith.constant 0 : i32
    %scan3A_2 = arith.constant 0 : i32
    %scan3A_3 = arith.constant 625 : i32
    %scan3A_4 = arith.addi %scan3A_2, %scan3A_3 : i32
    %scan3A_5 = arith.constant 1 : i32
    scf.for %scan3A_36 = %scan3A_2 to %scan3A_4 step %scan3A_5  : i32 {
      %mul3A_37 = arith.constant 16 : i32
      %mul3A_38 = arith.muli %mul3A_37, %scan3A_36 : i32
      %swap3A = arith.constant 0 : i32
      %swap3A_39 = arith.index_cast %swap3A : i32 to index
      %swap3A_40 = arith.index_cast %mul3A_38 : i32 to index
      %swap3A_41 = tpu.vector_load %arg12[%swap3A_39, %swap3A_40] {strides = array<i32>} : memref<4x10000xf32, #tpu.memory_space<vmem>>, vector<16xf32>,
      tpu.vector_store %arg12[%swap3A_39, %swap3A_40], %broadcast_in_dim3A_1 {strides = array<i32>} : memref<4x10000xf32, #tpu.memory_space<vmem>>, vector<16xf32>,
      %mul3A_42 = arith.constant 16 : i32
      %mul3A_43 = arith.muli %mul3A_42, %scan3A_36 : i32
      %swap3A_44 = arith.constant 1 : i32
      %swap3A_45 = arith.index_cast %swap3A_44 : i32 to index
      %swap3A_46 = arith.index_cast %mul3A_43 : i32 to index
      %swap3A_47 = tpu.vector_load %arg12[%swap3A_45, %swap3A_46] {strides = array<i32>} : memref<4x10000xf32, #tpu.memory_space<vmem>>, vector<16xf32>,
      tpu.vector_store %arg12[%swap3A_45, %swap3A_46], %broadcast_in_dim3A_1 {strides = array<i32>} : memref<4x10000xf32, #tpu.memory_space<vmem>>, vector<16xf32>,
      %mul3A_48 = arith.constant 16 : i32
      %mul3A_49 = arith.muli %mul3A_48, %scan3A_36 : i32
      %swap3A_50 = arith.constant 2 : i32
      %swap3A_51 = arith.index_cast %swap3A_50 : i32 to index
      %swap3A_52 = arith.index_cast %mul3A_49 : i32 to index
      %swap3A_53 = tpu.vector_load %arg12[%swap3A_51, %swap3A_52] {strides = array<i32>} : memref<4x10000xf32, #tpu.memory_space<vmem>>, vector<16xf32>,
      tpu.vector_store %arg12[%swap3A_51, %swap3A_52], %broadcast_in_dim3A_1 {strides = array<i32>} : memref<4x10000xf32, #tpu.memory_space<vmem>>, vector<16xf32>,
      %mul3A_54 = arith.constant 16 : i32
      %mul3A_55 = arith.muli %mul3A_54, %scan3A_36 : i32
      %swap3A_56 = arith.constant 3 : i32
      %swap3A_57 = arith.index_cast %swap3A_56 : i32 to index
      %swap3A_58 = arith.index_cast %mul3A_55 : i32 to index
      %swap3A_59 = tpu.vector_load %arg12[%swap3A_57, %swap3A_58] {strides = array<i32>} : memref<4x10000xf32, #tpu.memory_space<vmem>>, vector<16xf32>,
      tpu.vector_store %arg12[%swap3A_57, %swap3A_58], %broadcast_in_dim3A_1 {strides = array<i32>} : memref<4x10000xf32, #tpu.memory_space<vmem>>, vector<16xf32>,
    }
    %scan3A_6 = arith.constant 625 : i32
    %scan3A_7 = arith.constant 0 : i32
    %scan3A_8 = arith.constant 0 : i32
    %scan3A_9 = arith.constant 20 : i32
    %scan3A_10 = arith.addi %scan3A_8, %scan3A_9 : i32
    %scan3A_11 = arith.constant 1 : i32
    scf.for %scan3A_36 = %scan3A_8 to %scan3A_10 step %scan3A_11  : i32 {
      %mul3A_37 = arith.constant 16 : i32
      %mul3A_38 = arith.muli %mul3A_37, %scan3A_36 : i32
      %swap3A = arith.index_cast %mul3A_38 : i32 to index
      %swap3A_39 = tpu.vector_load %arg13[%swap3A] {strides = array<i32>} : memref<320xf32, #tpu.memory_space<vmem>>, vector<16xf32>,
      tpu.vector_store %arg13[%swap3A], %broadcast_in_dim3A_1 {strides = array<i32>} : memref<320xf32, #tpu.memory_space<vmem>>, vector<16xf32>,
    }
    %scan3A_12 = arith.constant 20 : i32
    %mul3A_13 = arith.constant 320 : i32
    %mul3A_14 = arith.muli %add3A, %mul3A_13 : i32
    %broadcast_in_dim3A_15 = arith.constant 0 : i32
    %broadcast_in_dim3A_16 = vector.broadcast %broadcast_in_dim3A_15 : i32 to vector<16xi32>
    %broadcast_in_dim3A_17 = arith.constant 1 : i32
    %broadcast_in_dim3A_18 = vector.broadcast %broadcast_in_dim3A_17 : i32 to vector<16xi32>
    %broadcast_in_dim3A_19 = arith.constant 2 : i32
    %broadcast_in_dim3A_20 = vector.broadcast %broadcast_in_dim3A_19 : i32 to vector<16xi32>
    %broadcast_in_dim3A_21 = arith.constant 3 : i32
    %broadcast_in_dim3A_22 = vector.broadcast %broadcast_in_dim3A_21 : i32 to vector<16xi32>
    %dma_start3A = arith.constant 0 : i32
    %dma_start3A_23 = tpu.memref_slice %arg5[%dma_start3A] : memref<320000xi32, #tpu.memory_space<hbm>> -> memref<6400xi32, #tpu.memory_space<hbm>>
    %dma_start3A_24 = arith.constant 0 : i32
    %dma_start3A_25 = tpu.memref_slice %arg5[%dma_start3A_24] : memref<320000xi32, #tpu.memory_space<hbm>> -> memref<6400xi32, #tpu.memory_space<hbm>>
    tpu.enqueue_dma source(%dma_start3A_25 : memref<6400xi32, #tpu.memory_space<hbm>>) target(%arg14 : memref<6400xi32, #tpu.memory_space<vmem>>) target_semaphore(%arg18 : memref<!tpu.dma_semaphore, #tpu.memory_space<semaphore_mem>>)
    %dma_start3A_26 = arith.constant 0 : i32
    %dma_start3A_27 = tpu.memref_slice %arg6[%dma_start3A_26] : memref<320000xi32, #tpu.memory_space<hbm>> -> memref<6400xi32, #tpu.memory_space<hbm>>
    %dma_start3A_28 = arith.constant 0 : i32
    %dma_start3A_29 = tpu.memref_slice %arg6[%dma_start3A_28] : memref<320000xi32, #tpu.memory_space<hbm>> -> memref<6400xi32, #tpu.memory_space<hbm>>
    tpu.enqueue_dma source(%dma_start3A_29 : memref<6400xi32, #tpu.memory_space<hbm>>) target(%arg15 : memref<6400xi32, #tpu.memory_space<vmem>>) target_semaphore(%arg18 : memref<!tpu.dma_semaphore, #tpu.memory_space<semaphore_mem>>)
    %scan3A_30 = arith.constant 0 : i32
    %scan3A_31 = arith.constant 0 : i32
    %scan3A_32 = arith.constant 25 : i32
    %scan3A_33 = arith.addi %scan3A_31, %scan3A_32 : i32
    %scan3A_34 = arith.constant 1 : i32
    scf.for %scan3A_36 = %scan3A_31 to %scan3A_33 step %scan3A_34  : i32 {
      %mul3A_37 = arith.constant 2 : i32
      %mul3A_38 = arith.muli %mul3A_37, %scan3A_36 : i32
      %add3A_39 = arith.constant 1 : i32
      %add3A_40 = arith.addi %mul3A_38, %add3A_39 : i32
      %mul3A_41 = arith.constant 6400 : i32
      %mul3A_42 = arith.muli %add3A_40, %mul3A_41 : i32
      %dma_start3A_43 = tpu.memref_slice %arg5[%mul3A_42] : memref<320000xi32, #tpu.memory_space<hbm>> -> memref<6400xi32, #tpu.memory_space<hbm>>
      %dma_start3A_44 = tpu.memref_slice %arg5[%mul3A_42] : memref<320000xi32, #tpu.memory_space<hbm>> -> memref<6400xi32, #tpu.memory_space<hbm>>
      tpu.enqueue_dma source(%dma_start3A_44 : memref<6400xi32, #tpu.memory_space<hbm>>) target(%arg16 : memref<6400xi32, #tpu.memory_space<vmem>>) target_semaphore(%arg19 : memref<!tpu.dma_semaphore, #tpu.memory_space<semaphore_mem>>)
      %mul3A_45 = arith.constant 6400 : i32
      %mul3A_46 = arith.muli %add3A_40, %mul3A_45 : i32
      %dma_start3A_47 = tpu.memref_slice %arg6[%mul3A_46] : memref<320000xi32, #tpu.memory_space<hbm>> -> memref<6400xi32, #tpu.memory_space<hbm>>
      %dma_start3A_48 = tpu.memref_slice %arg6[%mul3A_46] : memref<320000xi32, #tpu.memory_space<hbm>> -> memref<6400xi32, #tpu.memory_space<hbm>>
      tpu.enqueue_dma source(%dma_start3A_48 : memref<6400xi32, #tpu.memory_space<hbm>>) target(%arg17 : memref<6400xi32, #tpu.memory_space<vmem>>) target_semaphore(%arg19 : memref<!tpu.dma_semaphore, #tpu.memory_space<semaphore_mem>>)
      %dma_wait3A = arith.constant 0 : i32
      %dma_wait3A_49 = tpu.memref_slice %arg5[%dma_wait3A] : memref<320000xi32, #tpu.memory_space<hbm>> -> memref<6400xi32, #tpu.memory_space<hbm>>
      %dma_wait3A_50 = arith.constant 0 : i32
      %dma_wait3A_51 = tpu.memref_slice %arg5[%dma_wait3A_50] : memref<320000xi32, #tpu.memory_space<hbm>> -> memref<6400xi32, #tpu.memory_space<hbm>>
      tpu.wait_dma2 semaphore(%arg18 : memref<!tpu.dma_semaphore, #tpu.memory_space<semaphore_mem>>) src(%dma_wait3A_51 : memref<6400xi32, #tpu.memory_space<hbm>>) dst(%arg14 : memref<6400xi32, #tpu.memory_space<vmem>>)
      %dma_wait3A_52 = arith.constant 0 : i32
      %dma_wait3A_53 = tpu.memref_slice %arg6[%dma_wait3A_52] : memref<320000xi32, #tpu.memory_space<hbm>> -> memref<6400xi32, #tpu.memory_space<hbm>>
      %dma_wait3A_54 = arith.constant 0 : i32
      %dma_wait3A_55 = tpu.memref_slice %arg6[%dma_wait3A_54] : memref<320000xi32, #tpu.memory_space<hbm>> -> memref<6400xi32, #tpu.memory_space<hbm>>
      tpu.wait_dma2 semaphore(%arg18 : memref<!tpu.dma_semaphore, #tpu.memory_space<semaphore_mem>>) src(%dma_wait3A_55 : memref<6400xi32, #tpu.memory_space<hbm>>) dst(%arg15 : memref<6400xi32, #tpu.memory_space<vmem>>)
      %parallel_loop3A = arith.constant 0 : i32
      %parallel_loop3A_56 = arith.constant 400 : i32
      %parallel_loop3A_57 = arith.constant 1 : i32
      scf.for %parallel_loop3A_71 = %parallel_loop3A to %parallel_loop3A_56 step %parallel_loop3A_57  : i32 {
        %parallel_loop3A_72 = arith.constant 16 : i32
        %parallel_loop3A_73 = arith.muli %parallel_loop3A_72, %parallel_loop3A_71 : i32
        %parallel_loop3A_74 = arith.index_cast %parallel_loop3A_73 : i32 to index
        %parallel_loop3A_75 = tpu.vector_load %arg14[%parallel_loop3A_74] {strides = array<i32>} : memref<6400xi32, #tpu.memory_space<vmem>>, vector<16xi32>,
        %parallel_loop3A_76 = arith.constant 16 : i32
        %parallel_loop3A_77 = arith.muli %parallel_loop3A_76, %parallel_loop3A_71 : i32
        %parallel_loop3A_78 = arith.index_cast %parallel_loop3A_77 : i32 to index
        %parallel_loop3A_79 = tpu.vector_load %arg15[%parallel_loop3A_78] {strides = array<i32>} : memref<6400xi32, #tpu.memory_space<vmem>>, vector<16xi32>,
        %parallel_loop3A_80 = tpu.vector_load_idx %arg9[%parallel_loop3A_75] : memref<10000xf32, #tpu.memory_space<vmem>>[vector<16xi32>], vector<16xf32>,
        %parallel_loop3A_81 = tpu.vector_load_idx %arg10[%parallel_loop3A_79] : memref<10000xf32, #tpu.memory_space<vmem>>[vector<16xi32>], vector<16xf32>,
        %parallel_loop3A_82 = arith.addf %parallel_loop3A_80, %parallel_loop3A_81 : vector<16xf32>
        %parallel_loop3A_83 = arith.constant 0.000000e+00 : f32
        %parallel_loop3A_84 = vector.broadcast %parallel_loop3A_83 : f32 to vector<16xf32>
        %parallel_loop3A_85 = arith.cmpf ogt, %parallel_loop3A_82, %parallel_loop3A_84 : vector<16xf32>
        %parallel_loop3A_86 = arith.constant 2.000000e-01 : f32
        %parallel_loop3A_87 = vector.broadcast %parallel_loop3A_86 : f32 to vector<16xf32>
        %parallel_loop3A_88 = arith.mulf %parallel_loop3A_87, %parallel_loop3A_82 : vector<16xf32>
        %parallel_loop3A_89 = arith.select %parallel_loop3A_85, %parallel_loop3A_82, %parallel_loop3A_88 : vector<16xi1>, vector<16xf32>
        %parallel_loop3A_90 = math.exp %parallel_loop3A_89 : vector<16xf32>
        %parallel_loop3A_91 = tpu.vector_load_idx %arg11[%broadcast_in_dim3A_16, %parallel_loop3A_75] : memref<4x10000xf32, #tpu.memory_space<vmem>>[vector<16xi32>, vector<16xi32>], vector<16xf32>,
        %parallel_loop3A_92 = arith.mulf %parallel_loop3A_91, %parallel_loop3A_90 : vector<16xf32>
        tpu.vector_store_idx %arg12[%broadcast_in_dim3A_16, %parallel_loop3A_79], %parallel_loop3A_92 {add = true} : memref<4x10000xf32, #tpu.memory_space<vmem>>[vector<16xi32>, vector<16xi32>], vector<16xf32>,
        %parallel_loop3A_93 = tpu.vector_load_idx %arg11[%broadcast_in_dim3A_18, %parallel_loop3A_75] : memref<4x10000xf32, #tpu.memory_space<vmem>>[vector<16xi32>, vector<16xi32>], vector<16xf32>,
        %parallel_loop3A_94 = arith.mulf %parallel_loop3A_93, %parallel_loop3A_90 : vector<16xf32>
        tpu.vector_store_idx %arg12[%broadcast_in_dim3A_18, %parallel_loop3A_79], %parallel_loop3A_94 {add = true} : memref<4x10000xf32, #tpu.memory_space<vmem>>[vector<16xi32>, vector<16xi32>], vector<16xf32>,
        %parallel_loop3A_95 = tpu.vector_load_idx %arg11[%broadcast_in_dim3A_20, %parallel_loop3A_75] : memref<4x10000xf32, #tpu.memory_space<vmem>>[vector<16xi32>, vector<16xi32>], vector<16xf32>,
        %parallel_loop3A_96 = arith.mulf %parallel_loop3A_95, %parallel_loop3A_90 : vector<16xf32>
        tpu.vector_store_idx %arg12[%broadcast_in_dim3A_20, %parallel_loop3A_79], %parallel_loop3A_96 {add = true} : memref<4x10000xf32, #tpu.memory_space<vmem>>[vector<16xi32>, vector<16xi32>], vector<16xf32>,
        %parallel_loop3A_97 = tpu.vector_load_idx %arg11[%broadcast_in_dim3A_22, %parallel_loop3A_75] : memref<4x10000xf32, #tpu.memory_space<vmem>>[vector<16xi32>, vector<16xi32>], vector<16xf32>,
        %parallel_loop3A_98 = arith.mulf %parallel_loop3A_97, %parallel_loop3A_90 : vector<16xf32>
        tpu.vector_store_idx %arg12[%broadcast_in_dim3A_22, %parallel_loop3A_79], %parallel_loop3A_98 {add = true} : memref<4x10000xf32, #tpu.memory_space<vmem>>[vector<16xi32>, vector<16xi32>], vector<16xf32>,
        %parallel_loop3A_99 = vector.broadcast %mul3A_14 : i32 to vector<16xi32>
        %parallel_loop3A_100 = arith.subi %parallel_loop3A_79, %parallel_loop3A_99 : vector<16xi32>
        %parallel_loop3A_101 = arith.constant 0 : i32
        %parallel_loop3A_102 = vector.broadcast %parallel_loop3A_101 : i32 to vector<16xi32>
        %parallel_loop3A_103 = arith.cmpi sge, %parallel_loop3A_100, %parallel_loop3A_102 : vector<16xi32>
        %parallel_loop3A_104 = arith.constant 320 : i32
        %parallel_loop3A_105 = vector.broadcast %parallel_loop3A_104 : i32 to vector<16xi32>
        %parallel_loop3A_106 = arith.cmpi slt, %parallel_loop3A_100, %parallel_loop3A_105 : vector<16xi32>
        %parallel_loop3A_107 = arith.andi %parallel_loop3A_103, %parallel_loop3A_106 : vector<16xi1>
        %parallel_loop3A_108 = arith.constant 0 : i32
        %parallel_loop3A_109 = arith.constant 319 : i32
        %parallel_loop3A_110 = vector.broadcast %parallel_loop3A_108 : i32 to vector<16xi32>
        %parallel_loop3A_111 = arith.maxsi %parallel_loop3A_110, %parallel_loop3A_100 : vector<16xi32>
        %parallel_loop3A_112 = vector.broadcast %parallel_loop3A_109 : i32 to vector<16xi32>
        %parallel_loop3A_113 = arith.minsi %parallel_loop3A_112, %parallel_loop3A_111 : vector<16xi32>
        tpu.vector_store_idx %arg13[%parallel_loop3A_113], %parallel_loop3A_90 masked %parallel_loop3A_107 {add = true} : memref<320xf32, #tpu.memory_space<vmem>>[vector<16xi32>], vector<16xf32>, vector<16xi1>
      } {sc.loop_unroll_factor = 4 : i64, sc.parallel_access}
      %lt3A = arith.constant 24 : i32
      %lt3A_58 = arith.cmpi slt, %scan3A_36, %lt3A : i32
      %convert_element_type3A = arith.extui %lt3A_58 : i1 to i32
      %cond3A = arith.constant 0 : i32
      %cond3A_59 = arith.cmpi ne, %convert_element_type3A, %cond3A : i32
      scf.if %cond3A_59 {
        %mul3A_71 = arith.constant 2 : i32
        %mul3A_72 = arith.muli %mul3A_71, %scan3A_36 : i32
        %add3A_73 = arith.constant 2 : i32
        %add3A_74 = arith.addi %mul3A_72, %add3A_73 : i32
        %mul3A_75 = arith.constant 6400 : i32
        %mul3A_76 = arith.muli %add3A_74, %mul3A_75 : i32
        %dma_start3A_77 = tpu.memref_slice %arg5[%mul3A_76] : memref<320000xi32, #tpu.memory_space<hbm>> -> memref<6400xi32, #tpu.memory_space<hbm>>
        %dma_start3A_78 = tpu.memref_slice %arg5[%mul3A_76] : memref<320000xi32, #tpu.memory_space<hbm>> -> memref<6400xi32, #tpu.memory_space<hbm>>
        tpu.enqueue_dma source(%dma_start3A_78 : memref<6400xi32, #tpu.memory_space<hbm>>) target(%arg14 : memref<6400xi32, #tpu.memory_space<vmem>>) target_semaphore(%arg18 : memref<!tpu.dma_semaphore, #tpu.memory_space<semaphore_mem>>)
        %mul3A_79 = arith.constant 6400 : i32
        %mul3A_80 = arith.muli %add3A_74, %mul3A_79 : i32
        %dma_start3A_81 = tpu.memref_slice %arg6[%mul3A_80] : memref<320000xi32, #tpu.memory_space<hbm>> -> memref<6400xi32, #tpu.memory_space<hbm>>
        %dma_start3A_82 = tpu.memref_slice %arg6[%mul3A_80] : memref<320000xi32, #tpu.memory_space<hbm>> -> memref<6400xi32, #tpu.memory_space<hbm>>
        tpu.enqueue_dma source(%dma_start3A_82 : memref<6400xi32, #tpu.memory_space<hbm>>) target(%arg15 : memref<6400xi32, #tpu.memory_space<vmem>>) target_semaphore(%arg18 : memref<!tpu.dma_semaphore, #tpu.memory_space<semaphore_mem>>)
      } else {
      }
      %dma_wait3A_60 = arith.constant 0 : i32
      %dma_wait3A_61 = tpu.memref_slice %arg5[%dma_wait3A_60] : memref<320000xi32, #tpu.memory_space<hbm>> -> memref<6400xi32, #tpu.memory_space<hbm>>
      %dma_wait3A_62 = arith.constant 0 : i32
      %dma_wait3A_63 = tpu.memref_slice %arg5[%dma_wait3A_62] : memref<320000xi32, #tpu.memory_space<hbm>> -> memref<6400xi32, #tpu.memory_space<hbm>>
      tpu.wait_dma2 semaphore(%arg19 : memref<!tpu.dma_semaphore, #tpu.memory_space<semaphore_mem>>) src(%dma_wait3A_63 : memref<6400xi32, #tpu.memory_space<hbm>>) dst(%arg16 : memref<6400xi32, #tpu.memory_space<vmem>>)
      %dma_wait3A_64 = arith.constant 0 : i32
      %dma_wait3A_65 = tpu.memref_slice %arg6[%dma_wait3A_64] : memref<320000xi32, #tpu.memory_space<hbm>> -> memref<6400xi32, #tpu.memory_space<hbm>>
      %dma_wait3A_66 = arith.constant 0 : i32
      %dma_wait3A_67 = tpu.memref_slice %arg6[%dma_wait3A_66] : memref<320000xi32, #tpu.memory_space<hbm>> -> memref<6400xi32, #tpu.memory_space<hbm>>
      tpu.wait_dma2 semaphore(%arg19 : memref<!tpu.dma_semaphore, #tpu.memory_space<semaphore_mem>>) src(%dma_wait3A_67 : memref<6400xi32, #tpu.memory_space<hbm>>) dst(%arg17 : memref<6400xi32, #tpu.memory_space<vmem>>)
      %parallel_loop3A_68 = arith.constant 0 : i32
      %parallel_loop3A_69 = arith.constant 400 : i32
      %parallel_loop3A_70 = arith.constant 1 : i32
      scf.for %parallel_loop3A_71 = %parallel_loop3A_68 to %parallel_loop3A_69 step %parallel_loop3A_70  : i32 {
        %parallel_loop3A_72 = arith.constant 16 : i32
        %parallel_loop3A_73 = arith.muli %parallel_loop3A_72, %parallel_loop3A_71 : i32
        %parallel_loop3A_74 = arith.index_cast %parallel_loop3A_73 : i32 to index
        %parallel_loop3A_75 = tpu.vector_load %arg16[%parallel_loop3A_74] {strides = array<i32>} : memref<6400xi32, #tpu.memory_space<vmem>>, vector<16xi32>,
        %parallel_loop3A_76 = arith.constant 16 : i32
        %parallel_loop3A_77 = arith.muli %parallel_loop3A_76, %parallel_loop3A_71 : i32
        %parallel_loop3A_78 = arith.index_cast %parallel_loop3A_77 : i32 to index
        %parallel_loop3A_79 = tpu.vector_load %arg17[%parallel_loop3A_78] {strides = array<i32>} : memref<6400xi32, #tpu.memory_space<vmem>>, vector<16xi32>,
        %parallel_loop3A_80 = tpu.vector_load_idx %arg9[%parallel_loop3A_75] : memref<10000xf32, #tpu.memory_space<vmem>>[vector<16xi32>], vector<16xf32>,
        %parallel_loop3A_81 = tpu.vector_load_idx %arg10[%parallel_loop3A_79] : memref<10000xf32, #tpu.memory_space<vmem>>[vector<16xi32>], vector<16xf32>,
        %parallel_loop3A_82 = arith.addf %parallel_loop3A_80, %parallel_loop3A_81 : vector<16xf32>
        %parallel_loop3A_83 = arith.constant 0.000000e+00 : f32
        %parallel_loop3A_84 = vector.broadcast %parallel_loop3A_83 : f32 to vector<16xf32>
        %parallel_loop3A_85 = arith.cmpf ogt, %parallel_loop3A_82, %parallel_loop3A_84 : vector<16xf32>
        %parallel_loop3A_86 = arith.constant 2.000000e-01 : f32
        %parallel_loop3A_87 = vector.broadcast %parallel_loop3A_86 : f32 to vector<16xf32>
        %parallel_loop3A_88 = arith.mulf %parallel_loop3A_87, %parallel_loop3A_82 : vector<16xf32>
        %parallel_loop3A_89 = arith.select %parallel_loop3A_85, %parallel_loop3A_82, %parallel_loop3A_88 : vector<16xi1>, vector<16xf32>
        %parallel_loop3A_90 = math.exp %parallel_loop3A_89 : vector<16xf32>
        %parallel_loop3A_91 = tpu.vector_load_idx %arg11[%broadcast_in_dim3A_16, %parallel_loop3A_75] : memref<4x10000xf32, #tpu.memory_space<vmem>>[vector<16xi32>, vector<16xi32>], vector<16xf32>,
        %parallel_loop3A_92 = arith.mulf %parallel_loop3A_91, %parallel_loop3A_90 : vector<16xf32>
        tpu.vector_store_idx %arg12[%broadcast_in_dim3A_16, %parallel_loop3A_79], %parallel_loop3A_92 {add = true} : memref<4x10000xf32, #tpu.memory_space<vmem>>[vector<16xi32>, vector<16xi32>], vector<16xf32>,
        %parallel_loop3A_93 = tpu.vector_load_idx %arg11[%broadcast_in_dim3A_18, %parallel_loop3A_75] : memref<4x10000xf32, #tpu.memory_space<vmem>>[vector<16xi32>, vector<16xi32>], vector<16xf32>,
        %parallel_loop3A_94 = arith.mulf %parallel_loop3A_93, %parallel_loop3A_90 : vector<16xf32>
        tpu.vector_store_idx %arg12[%broadcast_in_dim3A_18, %parallel_loop3A_79], %parallel_loop3A_94 {add = true} : memref<4x10000xf32, #tpu.memory_space<vmem>>[vector<16xi32>, vector<16xi32>], vector<16xf32>,
        %parallel_loop3A_95 = tpu.vector_load_idx %arg11[%broadcast_in_dim3A_20, %parallel_loop3A_75] : memref<4x10000xf32, #tpu.memory_space<vmem>>[vector<16xi32>, vector<16xi32>], vector<16xf32>,
        %parallel_loop3A_96 = arith.mulf %parallel_loop3A_95, %parallel_loop3A_90 : vector<16xf32>
        tpu.vector_store_idx %arg12[%broadcast_in_dim3A_20, %parallel_loop3A_79], %parallel_loop3A_96 {add = true} : memref<4x10000xf32, #tpu.memory_space<vmem>>[vector<16xi32>, vector<16xi32>], vector<16xf32>,
        %parallel_loop3A_97 = tpu.vector_load_idx %arg11[%broadcast_in_dim3A_22, %parallel_loop3A_75] : memref<4x10000xf32, #tpu.memory_space<vmem>>[vector<16xi32>, vector<16xi32>], vector<16xf32>,
        %parallel_loop3A_98 = arith.mulf %parallel_loop3A_97, %parallel_loop3A_90 : vector<16xf32>
        tpu.vector_store_idx %arg12[%broadcast_in_dim3A_22, %parallel_loop3A_79], %parallel_loop3A_98 {add = true} : memref<4x10000xf32, #tpu.memory_space<vmem>>[vector<16xi32>, vector<16xi32>], vector<16xf32>,
        %parallel_loop3A_99 = vector.broadcast %mul3A_14 : i32 to vector<16xi32>
        %parallel_loop3A_100 = arith.subi %parallel_loop3A_79, %parallel_loop3A_99 : vector<16xi32>
        %parallel_loop3A_101 = arith.constant 0 : i32
        %parallel_loop3A_102 = vector.broadcast %parallel_loop3A_101 : i32 to vector<16xi32>
        %parallel_loop3A_103 = arith.cmpi sge, %parallel_loop3A_100, %parallel_loop3A_102 : vector<16xi32>
        %parallel_loop3A_104 = arith.constant 320 : i32
        %parallel_loop3A_105 = vector.broadcast %parallel_loop3A_104 : i32 to vector<16xi32>
        %parallel_loop3A_106 = arith.cmpi slt, %parallel_loop3A_100, %parallel_loop3A_105 : vector<16xi32>
        %parallel_loop3A_107 = arith.andi %parallel_loop3A_103, %parallel_loop3A_106 : vector<16xi1>
        %parallel_loop3A_108 = arith.constant 0 : i32
        %parallel_loop3A_109 = arith.constant 319 : i32
        %parallel_loop3A_110 = vector.broadcast %parallel_loop3A_108 : i32 to vector<16xi32>
        %parallel_loop3A_111 = arith.maxsi %parallel_loop3A_110, %parallel_loop3A_100 : vector<16xi32>
        %parallel_loop3A_112 = vector.broadcast %parallel_loop3A_109 : i32 to vector<16xi32>
        %parallel_loop3A_113 = arith.minsi %parallel_loop3A_112, %parallel_loop3A_111 : vector<16xi32>
        tpu.vector_store_idx %arg13[%parallel_loop3A_113], %parallel_loop3A_90 masked %parallel_loop3A_107 {add = true} : memref<320xf32, #tpu.memory_space<vmem>>[vector<16xi32>], vector<16xf32>, vector<16xi1>
      } {sc.loop_unroll_factor = 4 : i64, sc.parallel_access}
    }
    %scan3A_35 = arith.constant 25 : i32
    "tpu.region"() ({
      %run_scoped3A = tpu.sem_alloc : memref<!tpu.dma_semaphore, #tpu.memory_space<semaphore_mem>>
      %dma_start3A_36 = arith.constant 0 : i32
      %dma_start3A_37 = arith.constant 0 : i32
      %dma_start3A_38 = tpu.memref_slice %arg7[%add3A, %dma_start3A_36, %dma_start3A_37] : memref<32x4x10000xf32, #tpu.memory_space<hbm>> -> memref<1x4x10000xf32, #tpu.memory_space<hbm>>
      %dma_start3A_39 = tpu.memref_squeeze %dma_start3A_38 : memref<1x4x10000xf32, #tpu.memory_space<hbm>> -> memref<4x10000xf32, #tpu.memory_space<hbm>>
      %dma_start3A_40 = arith.constant 0 : i32
      %dma_start3A_41 = arith.constant 0 : i32
      %dma_start3A_42 = tpu.memref_slice %arg7[%add3A, %dma_start3A_40, %dma_start3A_41] : memref<32x4x10000xf32, #tpu.memory_space<hbm>> -> memref<1x4x10000xf32, #tpu.memory_space<hbm>>
      %dma_start3A_43 = tpu.memref_squeeze %dma_start3A_42 : memref<1x4x10000xf32, #tpu.memory_space<hbm>> -> memref<4x10000xf32, #tpu.memory_space<hbm>>
      tpu.enqueue_dma source(%arg12 : memref<4x10000xf32, #tpu.memory_space<vmem>>) target(%dma_start3A_43 : memref<4x10000xf32, #tpu.memory_space<hbm>>) target_semaphore(%run_scoped3A : memref<!tpu.dma_semaphore, #tpu.memory_space<semaphore_mem>>)
      %dma_wait3A = arith.constant 0 : i32
      %dma_wait3A_44 = arith.constant 0 : i32
      %dma_wait3A_45 = tpu.memref_slice %arg7[%add3A, %dma_wait3A, %dma_wait3A_44] : memref<32x4x10000xf32, #tpu.memory_space<hbm>> -> memref<1x4x10000xf32, #tpu.memory_space<hbm>>
      %dma_wait3A_46 = tpu.memref_squeeze %dma_wait3A_45 : memref<1x4x10000xf32, #tpu.memory_space<hbm>> -> memref<4x10000xf32, #tpu.memory_space<hbm>>
      %dma_wait3A_47 = arith.constant 0 : i32
      %dma_wait3A_48 = arith.constant 0 : i32
      %dma_wait3A_49 = tpu.memref_slice %arg7[%add3A, %dma_wait3A_47, %dma_wait3A_48] : memref<32x4x10000xf32, #tpu.memory_space<hbm>> -> memref<1x4x10000xf32, #tpu.memory_space<hbm>>
      %dma_wait3A_50 = tpu.memref_squeeze %dma_wait3A_49 : memref<1x4x10000xf32, #tpu.memory_space<hbm>> -> memref<4x10000xf32, #tpu.memory_space<hbm>>
      tpu.wait_dma2 semaphore(%run_scoped3A : memref<!tpu.dma_semaphore, #tpu.memory_space<semaphore_mem>>) src(%arg12 : memref<4x10000xf32, #tpu.memory_space<vmem>>) dst(%dma_wait3A_50 : memref<4x10000xf32, #tpu.memory_space<hbm>>)
      tpu.yield
    }) : () -> ()
    "tpu.region"() ({
      %run_scoped3A = tpu.sem_alloc : memref<!tpu.dma_semaphore, #tpu.memory_space<semaphore_mem>>
      %dma_start3A_36 = tpu.memref_slice %arg8[%mul3A_14] : memref<10240xf32, #tpu.memory_space<hbm>> -> memref<320xf32, #tpu.memory_space<hbm>>
      %dma_start3A_37 = tpu.memref_slice %arg8[%mul3A_14] : memref<10240xf32, #tpu.memory_space<hbm>> -> memref<320xf32, #tpu.memory_space<hbm>>
      tpu.enqueue_dma source(%arg13 : memref<320xf32, #tpu.memory_space<vmem>>) target(%dma_start3A_37 : memref<320xf32, #tpu.memory_space<hbm>>) target_semaphore(%run_scoped3A : memref<!tpu.dma_semaphore, #tpu.memory_space<semaphore_mem>>)
      %dma_wait3A = tpu.memref_slice %arg8[%mul3A_14] : memref<10240xf32, #tpu.memory_space<hbm>> -> memref<320xf32, #tpu.memory_space<hbm>>
      %dma_wait3A_38 = tpu.memref_slice %arg8[%mul3A_14] : memref<10240xf32, #tpu.memory_space<hbm>> -> memref<320xf32, #tpu.memory_space<hbm>>
      tpu.wait_dma2 semaphore(%run_scoped3A : memref<!tpu.dma_semaphore, #tpu.memory_space<semaphore_mem>>) src(%arg13 : memref<320xf32, #tpu.memory_space<vmem>>) dst(%dma_wait3A_38 : memref<320xf32, #tpu.memory_space<hbm>>)
      tpu.yield
    }) : () -> ()
    return
  }
}

module attributes {stable_mosaic.version = 14 : i64} {
  func.func @_tc_prep_body(%arg0: memref<10000x128xf32, #tpu.memory_space<vmem>>, %arg1: memref<128x128xf32, #tpu.memory_space<vmem>>, %arg2: memref<8x128xf32, #tpu.memory_space<vmem>>, %arg3: memref<128x10000xf32, #tpu.memory_space<vmem>>, %arg4: memref<8x10000xf32, #tpu.memory_space<vmem>>) attributes {dimension_semantics = [], scalar_prefetch = 0 : i64, scratch_operands = 0 : i64, tpu.core_type = #tpu.core_type<tc>} {
    %get3A = arith.constant 0 : index
    %get3A_0 = arith.constant 0 : index
    %get3A_1 = vector.load %arg1[%get3A, %get3A_0] : memref<128x128xf32, #tpu.memory_space<vmem>>, vector<128x128xf32>
    %get3A_2 = arith.constant 0 : index
    %get3A_3 = arith.constant 0 : index
    %get3A_4 = vector.load %arg0[%get3A_2, %get3A_3] : memref<10000x128xf32, #tpu.memory_space<vmem>>, vector<10000x128xf32>
    %dot_general3A = arith.constant dense<0.000000e+00> : vector<128x10000xf32>
    %dot_general3A_5 = tpu.matmul %get3A_1, %get3A_4, %dot_general3A {dimension_numbers = #tpu.dot_dimension_numbers<[1], [1], [0], [0], [0, 0, 1, 0], [], []>, transpose_lhs_hint = false} : vector<128x128xf32>, vector<10000x128xf32>, vector<128x10000xf32> -> vector<128x10000xf32>
    %swap3A = arith.constant 0 : index
    %swap3A_6 = arith.constant 0 : index
    %swap3A_7 = vector.load %arg3[%swap3A, %swap3A_6] : memref<128x10000xf32, #tpu.memory_space<vmem>>, vector<128x10000xf32>
    tpu.vector_store %arg3[%swap3A, %swap3A_6], %dot_general3A_5 {strides = array<i32>} : memref<128x10000xf32, #tpu.memory_space<vmem>>, vector<128x10000xf32>,
    %get3A_8 = arith.constant 0 : index
    %get3A_9 = arith.constant 0 : index
    %get3A_10 = vector.load %arg2[%get3A_8, %get3A_9] : memref<8x128xf32, #tpu.memory_space<vmem>>, vector<8x128xf32>
    %dot_general3A_11 = arith.constant dense<0.000000e+00> : vector<8x10000xf32>
    %dot_general3A_12 = tpu.matmul %get3A_10, %dot_general3A_5, %dot_general3A_11 {dimension_numbers = #tpu.dot_dimension_numbers<[1], [0], [0], [1], [0, 0, 1, 1], [], []>, transpose_lhs_hint = false} : vector<8x128xf32>, vector<128x10000xf32>, vector<8x10000xf32> -> vector<8x10000xf32>
    %swap3A_13 = arith.constant 0 : index
    %swap3A_14 = arith.constant 0 : index
    %swap3A_15 = vector.load %arg4[%swap3A_13, %swap3A_14] : memref<8x10000xf32, #tpu.memory_space<vmem>>, vector<8x10000xf32>
    tpu.vector_store %arg4[%swap3A_13, %swap3A_14], %dot_general3A_12 {strides = array<i32>} : memref<8x10000xf32, #tpu.memory_space<vmem>>, vector<8x10000xf32>,
    return
  }
}

module attributes {stable_mosaic.version = 14 : i64} {
  func.func @_tc_fin_body(%arg0: memref<128x10000xf32, #tpu.memory_space<vmem>>, %arg1: memref<1x10000xf32, #tpu.memory_space<vmem>>, %arg2: memref<10000x128xf32, #tpu.memory_space<vmem>>) attributes {dimension_semantics = [], scalar_prefetch = 0 : i64, scratch_operands = 0 : i64, tpu.core_type = #tpu.core_type<tc>} {
    %get3A = arith.constant 0 : index
    %get3A_0 = arith.constant 0 : index
    %get3A_1 = vector.load %arg0[%get3A, %get3A_0] : memref<128x10000xf32, #tpu.memory_space<vmem>>, vector<128x10000xf32>
    %get3A_2 = arith.constant 0 : index
    %get3A_3 = arith.constant 0 : index
    %get3A_4 = vector.load %arg1[%get3A_2, %get3A_3] : memref<1x10000xf32, #tpu.memory_space<vmem>>, vector<1x10000xf32>
    %add3A = arith.constant 1.000000e-10 : f32
    %add3A_5 = vector.broadcast %add3A : f32 to vector<1x10000xf32>
    %add3A_6 = arith.addf %get3A_4, %add3A_5 : vector<1x10000xf32>
    %div3A = vector.broadcast %add3A_6 : vector<1x10000xf32> to vector<128x10000xf32>
    %div3A_7 = arith.divf %get3A_1, %div3A : vector<128x10000xf32>
    %gt3A = arith.constant 0.000000e+00 : f32
    %gt3A_8 = vector.broadcast %gt3A : f32 to vector<128x10000xf32>
    %gt3A_9 = arith.cmpf ogt, %div3A_7, %gt3A_8 : vector<128x10000xf32>
    %exp3A = math.exp %div3A_7 : vector<128x10000xf32>
    %sub3A = arith.constant 1.000000e+00 : f32
    %sub3A_10 = vector.broadcast %sub3A : f32 to vector<128x10000xf32>
    %sub3A_11 = arith.subf %exp3A, %sub3A_10 : vector<128x10000xf32>
    %select_n3A = arith.select %gt3A_9, %div3A_7, %sub3A_11 : vector<128x10000xi1>, vector<128x10000xf32>
    %transpose3A = tpu.transpose %select_n3A, [1, 0] : vector<128x10000xf32> -> vector<10000x128xf32>
    %swap3A = arith.constant 0 : index
    %swap3A_12 = arith.constant 0 : index
    %swap3A_13 = vector.load %arg2[%swap3A, %swap3A_12] : memref<10000x128xf32, #tpu.memory_space<vmem>>, vector<10000x128xf32>
    tpu.vector_store %arg2[%swap3A, %swap3A_12], %transpose3A {strides = array<i32>} : memref<10000x128xf32, #tpu.memory_space<vmem>>, vector<10000x128xf32>,
    return
  }
}

</mosaic_0001>

<sc_bundles>
// kernel: kernel.5.cloned.1.call-start
scs
__scs_entry_jumppad:
0x0: {  	(pc) =	sbr.rel $0x88, $3  }
0x1: {  	(tag) =	ssettag $0x0;
	lr =	simm.s32 $0x1  }
0x2: {  	[smem:$0x3F9D] =	sst lr;
	_ =	strace $0xD0000000  }
0x3: {  	_ = 	snop  }
0x4: {  	_ = 	snop  }
0x5: {  	_ = 	snop  }
0x6: {  	_ = 	snop  }
0x7: {  	_ = 	snop  }
__scs_overlays_trampoline_lowered:
0x8: {  	[smem:$0x3FAC] =	sst s0  }
0x9: {  	[smem:$0x3FAD] =	sst s1  }
0xa: {  	[smem:$0x3FAE] =	sst s2  }
0xb: {  	[smem:$0x3FAF] =	sst s3  }
0xc: {  	[smem:$0x3FB0] =	sst s4  }
0xd: {  	[smem:$0x3FB1] =	sst s5  }
0xe: {  	[smem:$0x3FB2] =	sst s6  }
0xf: {  	[smem:$0x3FB3] =	sst s7  }
0x10: {  	[smem:$0x3FB4] =	sst s8  }
0x11: {  	[smem:$0x3FB5] =	sst s9;
	s0 =	simm.s32 @!p0 $0x0  }
0x12: {  	s1 =	sld [smem:$0x3F9B];
	s0 =	simm.s32 @p0 $0x1  }
0x13: {  	[smem:$0x3FB6] =	sst s0;
	s0 =	simm.s32 @!p1 $0x0  }
0x14: {  	s2 =	sld [smem:$0x3F9A];
	s0 =	simm.s32 @p1 $0x1  }
0x15: {  	[smem:$0x3FB7] =	sst s0;
	s0 =	simm.s32 @!p2 $0x0  }
0x16: {  	s3 =	sld [smem:$0x3FDB];
	s0 =	simm.s32 @p2 $0x1  }
0x17: {  	s4 =	simm.s32 $0x1BF5;
	[smem:$0x3FB9] =	sst s0  }
0x18: {  	s0 =	sld [smem:$0x3F9C];
	_ =	swait.ge [sflag:s4], $0x0  }
0x19: {  	s7 =	sld [smem:$0x3F9D]  }
0x1a: {  	s8 =	sadd.s32 $0xFFFFE003, lr  }
0x1b: {  	s9 =	sadd.s32 $0xFFFFFEF7, lr;
	s5 =	simm.s32 $0xFFFFFFFF;
	p2 =	slt.u32 s8, $0xFFFFF086  }
0x1c: {  	p1 =	slt.u32 s9, $0xF7A;
	s5 =	simm.s32 @!p2 $0x0  }
0x1d: {  	s5 =	simm.s32 @p1 $0x1;
	p0 =	seq.s32 s7, s2  }
0x1e: {  	s7 =	smul.u32 @!p0 $0xF7A, s2;
	p2 =	seq.s32 @!p0 s5, $0x0  }
0x1f: {  	s9 =	smul.u32 $0xF7A, s1;
	s8 =	simm.s32 @!p0 $0x1BF5;
	p2 =	por !p2, p0  }
0x20: {  	[sflag:s8] =	ssyncset.s32 @!p0 $0xFFFFF086;
	s6 =	sadd.s32 @!p0 s3, s7;
	s7 =	simm.s32 @!p0 $0x108  }
0x21: {  	s3 =	sadd.s32 s3, s9;
	s6 =	sadd.s32 @!p0 $0x88, s6;
	s7 =	simm.s32 @p2 $0x1082  }
0x22: {  	[simem:s7], [sflag:s8] =	dma.local @!p0 [hbm:s6], $0xF7A  }
0x23: {  	s9 =	sor.u32 $0xD0000000, s2;
	s6 =	simm.s32 $0x108;
	_ =	swait.ge @!p0 [sflag:s8], $0x0  }
0x24: {  	s3 =	sadd.s32 $0x88, s3;
	s6 =	simm.s32 @!p1 $0x1082;
	[sflag:s4] =	ssyncset.s32 $0xFFFFF086  }
0x25: {  	[simem:s6], [sflag:s4] =	dma.local [hbm:s3], $0xF7A  }
0x26: {  	[smem:$0x3F9D] =	sst s1;
	(tag) =	ssettag s2;
	_ =	strace s9  }
0x27: {  	s1 =	sld [smem:$0x3FAD]  }
0x28: {  	s2 =	sld [smem:$0x3FAE]  }
0x29: {  	s4 =	sld [smem:$0x3FB0]  }
0x2a: {  	p0 =	seq.s32 s5, $0x0;
	s5 =	sld [smem:$0x3FB1]  }
0x2b: {  	s6 =	sld [smem:$0x3FB2]  }
0x2c: {  	s7 =	sld [smem:$0x3FB3]  }
0x2d: {  	s3 =	simm.s32 $0x108;
	s8 =	sld [smem:$0x3FB4]  }
0x2e: {  	s3 =	simm.s32 @!p0 $0x1082;
	s9 =	sld [smem:$0x3FB5]  }
0x2f: {  	lr =	sadd.s32 s0, s3;
	s0 =	sld [smem:$0x3FAC]  }
0x30: {  	s3 =	sld [smem:$0x3FAF]  }
0x31: {  	[smem:$0x3FB8] =	sst s10  }
0x32: {  	s10 =	sld [smem:$0x3FB6];
	_ =	sdelay $0x3  }
0x33: {  	p0 =	seq.s32 s10, $0x1;
	s10 =	sld [smem:$0x3FB8];
	_ =	sdelay $0x3  }
0x34: {  	[smem:$0x3FB8] =	sst s10  }
0x35: {  	s10 =	sld [smem:$0x3FB7];
	_ =	sdelay $0x3  }
0x36: {  	p1 =	seq.s32 s10, $0x1;
	s10 =	sld [smem:$0x3FB8];
	_ =	sdelay $0x3  }
0x37: {  	[smem:$0x3FB8] =	sst s10  }
0x38: {  	s10 =	sld [smem:$0x3FB9]  }
0x39: {  	_ = 	snop;
	(pc) =	sbr.ind lr, $3  }
0x3a: {  	_ = 	snop  }
0x3b: {  	_ = 	snop  }
0x3c: {  	p2 =	seq.s32 s10, $0x1;
	s10 =	sld [smem:$0x3FB8]  }
0x3d: {  	_ =	shalt  }
0x3e: {  	_ =	shalt  }
0x3f: {  	_ =	shalt  }
0x40: {  	_ =	shalt  }
0x41: {  	_ =	shalt  }
0x42: {  	_ =	shalt  }
0x43: {  	_ =	shalt  }
0x44: {  	_ =	shalt  }
0x45: {  	_ =	shalt  }
0x46: {  	_ =	shalt  }
0x47: {  	_ =	shalt  }
0x48: {  	_ =	shalt  }
0x49: {  	_ =	shalt  }
0x4a: {  	_ =	shalt  }
0x4b: {  	_ =	shalt  }
0x4c: {  	_ =	shalt  }
0x4d: {  	_ =	shalt  }
0x4e: {  	_ =	shalt  }
0x4f: {  	_ =	shalt  }
0x50: {  	_ =	shalt  }
0x51: {  	_ =	shalt  }
0x52: {  	_ =	shalt  }
0x53: {  	_ =	shalt  }
0x54: {  	_ =	shalt  }
0x55: {  	_ =	shalt  }
0x56: {  	_ =	shalt  }
0x57: {  	_ =	shalt  }
0x58: {  	_ =	shalt  }
0x59: {  	_ =	shalt  }
0x5a: {  	_ =	shalt  }
0x5b: {  	_ =	shalt  }
0x5c: {  	_ =	shalt  }
0x5d: {  	_ =	shalt  }
0x5e: {  	_ =	shalt  }
0x5f: {  	_ =	shalt  }
0x60: {  	_ =	shalt  }
0x61: {  	_ =	shalt  }
0x62: {  	_ =	shalt  }
0x63: {  	_ =	shalt  }
0x64: {  	_ =	shalt  }
0x65: {  	_ =	shalt  }
0x66: {  	_ =	shalt  }
0x67: {  	_ =	shalt  }
0x68: {  	_ =	shalt  }
0x69: {  	_ =	shalt  }
0x6a: {  	_ =	shalt  }
0x6b: {  	_ =	shalt  }
0x6c: {  	_ =	shalt  }
0x6d: {  	_ =	shalt  }
0x6e: {  	_ =	shalt  }
0x6f: {  	_ =	shalt  }
0x70: {  	_ =	shalt  }
0x71: {  	_ =	shalt  }
0x72: {  	_ =	shalt  }
0x73: {  	_ =	shalt  }
0x74: {  	_ =	shalt  }
0x75: {  	_ =	shalt  }
0x76: {  	_ =	shalt  }
0x77: {  	_ =	shalt  }
0x78: {  	_ =	shalt  }
0x79: {  	_ =	shalt  }
0x7a: {  	_ =	shalt  }
0x7b: {  	_ =	shalt  }
0x7c: {  	_ =	shalt  }
0x7d: {  	_ =	shalt  }
0x7e: {  	_ =	shalt  }
0x7f: {  	_ =	shalt  }
0x80: {  	_ =	shalt  }
0x81: {  	_ =	shalt  }
0x82: {  	_ =	shalt  }
0x83: {  	_ =	shalt  }
0x84: {  	_ =	shalt  }
0x85: {  	_ =	shalt  }
0x86: {  	_ =	shalt  }
0x87: {  	_ =	shalt  }
.Lfunc_end0:
.L_simem_size_0:
called_computation_lowered:
.L_overlay_start_0:
0x88: {  	s2 =	sld [smem:$0x3FD9]  }
0x89: {  	s3 =	sld [smem:$0x3FFE];
	_ =	sdelay $0x1  }
0x8a: {  	s1 =	srdreg.scid  }
0x8b: {  	s0 =	sand.u32 $0x1, s1  }
0x8c: {  	s17 =	sshll.u32 s0, $0xA;
	s2 =	sadd.s32 s3, s2  }
0x8d: {  	s2 =	sadd.s32 s2, s17  }
0x8e: {  	[smem:$0x3FC4] =	sst s2  }
0x8f: {  	_ = 	snop  }
0x90: {  	s2 =	sld [smem:$0x3FD0];
	(tm) =	ssettm $0x1  }
0x91: {  	s18 =	sld [smem:$0x3FFB];
	_ =	sdelay $0x3  }
0x92: {  	_ =	strace s18  }
0x93: {  	s3 =	sld [smem:$0x3FFC];
	_ =	sdelay $0x3  }
0x94: {  	_ =	strace s3  }
0x95: {  	s3 =	sld [smem:$0x3FFD];
	_ =	sdelay $0x3  }
0x96: {  	_ =	strace s3  }
0x97: {  	_ =	strace $0x8FFFFFFF  }
0x98: {  	s19 =	sld [smem:$0x3FDB];
	_ =	sdelay $0x1  }
0x99: {  	s4 =	simm.s32 $_scs_section_size  }
0x9a: {  	s5 =	simm.s32 $_size__tile_overlayer_lowered;
	s6 =	simm.s32 $_tile_overlayer_lowered  }
0x9b: {  	s22 =	simm.s32 $0x1BFF;
	s21 =	sshll.u32 s6, $0x1;
	s3 =	sadd.s32 s4, s19  }
0x9c: {  	s7 =	simm.s32 $0x0;
	s20 =	sshll.u32 s5, $0x1;
	s5 =	sadd.s32 s21, s3  }
0x9d: {  	[timem:s7], [sflag:s22] =	dma.local [hbm:s5], s20  }
0x9e: {  	_ =	swait.ge [sflag:s22], s20  }
0x9f: {  	s4 =	ssub.s32 $0x0, s20;
	[sflag:s22] =	ssyncset.done $0x0  }
0xa0: {  	[sflag:s22] =	ssyncadd.s32 s4;
	_ =	sdelay $0x1  }
0xa1: {  	s23 =	simm.s32 $0x1B8B  }
0xa2: {  	_ =	swait.ge [sflag:s23], $0x1  }
0xa3: {  	[sflag:s23] =	ssyncset.done $0x0  }
0xa4: {  	s25 =	simm.s32 $0x1B8E;
	s24 =	sld [smem:$0x3FFE];
	[sflag:s23] =	ssyncadd.s32 $0xFFFFFFFF  }
0xa5: {  	s26 =	simm.s32 $execute0_lowered;
	[smem:$0x3FD2] =	sst s25  }
0xa6: {  	s5 =	sshll.u32 s26, $0x1;
	_ =	strace $0x80000046;
	[dreg:$0x1] =	wrdreg $0xFFFFFFFF  }
0xa7: {  	s28 =	simm.s32 $_size_execute0_lowered;
	s3 =	sadd.s32 s3, s5;
	[dreg:$0x0] =	wrdreg $0x0  }
0xa8: {  	s5 =	sshll.u32 s28, $0x1;
	[dreg:$0x2] =	wrdreg s3  }
0xa9: {  	[dreg:$0x3] =	wrdreg s5  }
0xaa: {  	[dreg:$0x4] =	wrdreg $0xC0  }
0xab: {  	_ =	task [dreg:s7], $0x5FFFF  }
0xac: {  	[dreg:$0x1] =	wrdreg $0xFFFFFFFF  }
0xad: {  	[dreg:$0x0] =	wrdreg $0x60  }
0xae: {  	[dreg:$0x2] =	wrdreg s24  }
0xaf: {  	[dreg:$0x3] =	wrdreg s2  }
0xb0: {  	[dreg:$0x4] =	wrdreg $0x9  }
0xb1: {  	_ =	task.clear_ibuf [dreg:s7], $0x5FFFF;
	_ =	strace $0x90000046  }
0xb2: {  	s29 =	simm.s32 $0x9;
	_ =	strace $0x80000048  }
0xb3: {  	_ =	swait.ge [sflag:s29], $0x1  }
0xb4: {  	[sflag:s29] =	ssyncadd.s32 $0xFFFFFFFF  }
0xb5: {  	_ =	strace $0x90000048  }
0xb6: {  	_ =	sfence  }
0xb7: {  	s30 =	sld [smem:$0x0];
	_ =	sdelay $0x2  }
0xb8: {  	s31 =	sshll.u32 s1, $0xD;
	s1 =	sshrl.u32 s1, $0x2  }
0xb9: {  	s3 =	sand.u32 $0x4000, s31;
	s1 =	sadd.s32 s1, s30  }
0xba: {  	s0 =	sor.u32 s3, s0;
	s1 =	sshll.u32 s1, $0x11  }
0xbb: {  	s0 =	sor.u32 s1, s0  }
0xbc: {  	s0 =	sadd.s32 $0x8F2B, s0  }
0xbd: {  	[sflag:s0] =	ssyncadd.remote.s32 $0x1  }
0xbe: {  	_ =	sfence.sel $0xFFFF  }
0xbf: {  	[dreg:$0x0] =	wrdreg $0xFFFFFFFF;
	(pc) =	sbr.abs _section_cstart, $3  }
0xc0: {  	[dreg:$0x1] =	wrdreg $0xFFFFFFFF  }
0xc1: {  	_ =	task.clear_ibuf [dreg:s7], $0x2FFFF;
	_ =	strace $0x9FFFFFFF  }
0xc2: {  	(tm) =	ssettm $0x7FFFFFFF  }
0xc3: {  	_ =	shalt  }
tec
execute0_lowered:
.L_overlay_start_1:
0x0: {  	(tag) =	ssettag $0x1  }
0x1: {  	s7 =	rddreg [dreg:$0x0];
	s1 =	srdreg.scid  }
0x2: {  	s0 =	stileid.u32;
	s2 =	rddreg [dreg:$0x1];
	s3 =	simm.s32 $0x0  }
0x3: {  	s12 =	simm.s32 $0x2780;
	s13 =	simm.s32 $0x4F00;
	s14 =	simm.s32 $0x18C80  }
0x4: {  	s15 =	simm.s32 $0x1A580;
	s16 =	simm.s32 $0x1BE80;
	s17 =	simm.s32 $0x1D780  }
0x5: {  	s18 =	simm.s32 $0x1;
	s19 =	simm.s32 $0xED00;
	s21 =	simm.s32 $0x2  }
0x6: {  	s8 =	sand.u32 $0x1, s1;
	s4 =	sshll.u32 s0, $0x1;
	s1 =	rddreg [dreg:$0x2]  }
0x7: {  	s22 =	simm.s32 $0x0;
	[smem:$0x7FF] =	sst s3;
	s5 =	sor.u32 s8, s4  }
0x8: {  	s6 =	sadd.s32 $0x28600, s7;
	s8 =	ssub.s32 $0x2, s8;
	s9 =	smul.u32 $0x13C0, s5  }
0x9: {  	_ =	strace $0x80000047;
	s20 =	smul.u32 $0x140, s5;
	s11 =	sshrl.u32 s8, $0x1  }
0xa: {  	s4 =	sadd.s32 $0x800, s7;
	s5 =	sadd.s32 $0x200, s7;
	s11 =	ssub.s32 s8, s11  }
0xb: {  	s9 =	sadd.s32 s9, s7;
	s10 =	sshrl.u32 s20, $0x3;
	v0 =	vmov s20;
	s20 =	simm.s32 $0x18B00  }
0xc: {  	s10 =	sadd.s32 s10, s7;
	s7 =	sadd.s32 $0xE00, s9;
	s8 =	sadd.s32 $0x32400, s9  }
0xd: {  	v1 =	vimm.f32 $0.0e+00;
	s9 =	sadd.s32 $0x59C00, s10;
	s10 =	smax.u32 s11, $0x1;
	s11 =	simm.s32 $0x3  }
.LBB2_1:
0xe: {  	[tilespmem:s3], [sflag:$0x3] =	stream.linear.gather [hbm4b:s4+s3], $0x2780, $0x38;
	[tilespmem:$0x1F080] =	vst v63  }
0xf: {  	_ =	swait.ge [sflag:s11], $0x2780  }
0x10: {  	[sflag:s11] =	ssyncset.done $0x0  }
0x11: {  	[sflag:s11] =	ssyncadd.s32 $0xFFFFD880  }
0x12: {  	[tilespmem:s12], [sflag:$0x3] =	stream.linear.gather [hbm4b:s5+s3], $0x2780, $0x38;
	[tilespmem:$0x1F080] =	vst v63  }
0x13: {  	_ =	swait.ge [sflag:s11], $0x2780  }
0x14: {  	[sflag:s11] =	ssyncset.done $0x0  }
0x15: {  	[sflag:s11] =	ssyncadd.s32 $0xFFFFD880  }
0x16: {  	[tilespmem:s13], [sflag:$0x3] =	stream.linear.gather [hbm4b:s7+s3], $0x9E00, $0x38;
	[tilespmem:$0x1F080] =	vst v63  }
0x17: {  	_ =	swait.ge [sflag:s11], $0x9E00  }
0x18: {  	s23 =	sand.u32 $0x70, s3;
	s24 =	sand.u32 $0xFE00, s3;
	[sflag:s11] =	ssyncset.done $0x0  }
0x19: {  	s25 =	sor.u32 s23, s24;
	[sflag:s11] =	ssyncadd.s32 $0xFFFF6200  }
0x1a: {  	[tilespmem:s25+$0xEE80] =	vst v1  }
0x1b: {  	[tilespmem:s25+$0xED00] =	vst v1  }
0x1c: {  	s23 =	simm.s32 $0x10;
	s24 =	simm.s32 $0x0;
	[tilespmem:s25+$0xED80] =	vst v1  }
.LBB2_2:
0x1d: {  	s26 =	sand.u32 $0x70, s23;
	[tilespmem:s25+$0xEE00] =	vst v1;
	s24 =	sadd.s32 $0x40, s24;
	p0 =	sne.s32 s23, $0x2700  }
.Ltmp0:
0x1e: {  	s23 =	sadd.s32 $0x10, s23;
	s25 =	sand.u32 $0xFE00, s24;
	(pc) =	sbr.rel @p0 .LBB2_2-.Ltmp0, $4  }
0x1f: {  	s25 =	sor.u32 s26, s25  }
0x20: {  	[tilespmem:s25+$0xEE80] =	vst v1  }
0x21: {  	[tilespmem:s25+$0xED00] =	vst v1  }
0x22: {  	[tilespmem:s25+$0xED80] =	vst v1  }
0x23: {  	[tilespmem:s25+$0xEE00] =	vst v1  }
0x24: {  	[tilespmem:$0x18B00] =	vst v1  }
0x25: {  	[tilespmem:$0x18B10] =	vst v1  }
0x26: {  	[tilespmem:$0x18B20] =	vst v1  }
0x27: {  	[tilespmem:$0x18B30] =	vst v1  }
0x28: {  	[tilespmem:$0x18B40] =	vst v1  }
0x29: {  	[tilespmem:$0x18B50] =	vst v1  }
0x2a: {  	[tilespmem:$0x18B60] =	vst v1  }
0x2b: {  	[tilespmem:$0x18B70] =	vst v1  }
0x2c: {  	[tilespmem:$0x18B80] =	vst v1  }
0x2d: {  	[tilespmem:$0x18B90] =	vst v1  }
0x2e: {  	[tilespmem:$0x18BA0] =	vst v1  }
0x2f: {  	[tilespmem:$0x18BB0] =	vst v1  }
0x30: {  	[tilespmem:$0x18BC0] =	vst v1  }
0x31: {  	[tilespmem:$0x18BD0] =	vst v1  }
0x32: {  	[tilespmem:$0x18BE0] =	vst v1  }
0x33: {  	[tilespmem:$0x18BF0] =	vst v1  }
0x34: {  	[tilespmem:$0x18C00] =	vst v1  }
0x35: {  	[tilespmem:$0x18C10] =	vst v1  }
0x36: {  	[tilespmem:$0x18C20] =	vst v1  }
0x37: {  	s23 =	simm.s32 $0x0;
	[tilespmem:$0x18C30] =	vst v1  }
0x38: {  	[tilespmem:s14], [sflag:$0x1] =	stream.linear.gather [hbm4b:s6+s23], $0x1900, $0x38;
	[tilespmem:$0x1F080] =	vst v63  }
0x39: {  	_ = 	snop  }
0x3a: {  	[tilespmem:s15], [sflag:$0x1] =	stream.linear.gather [hbm4b:s2+s23], $0x1900, $0x38;
	[tilespmem:$0x1F080] =	vst v63  }
.LBB2_4:
0x3b: {  	s24 =	smul.u32 $0x3200, s23;
	_ =	sdelay $0x1  }
0x3c: {  	s25 =	sshrl.u32 s24, $0x3  }
0x3d: {  	s25 =	sadd.s32 $0x320, s25  }
0x3e: {  	s26 =	sadd.s32 s6, s25  }
0x3f: {  	[tilespmem:s16], [sflag:$0x2] =	stream.linear.gather [hbm4b:s26+s3], $0x1900, $0x38;
	[tilespmem:$0x1F080] =	vst v63  }
0x40: {  	s25 =	sadd.s32 s2, s25  }
0x41: {  	[tilespmem:s17], [sflag:$0x2] =	stream.linear.gather [hbm4b:s25+s3], $0x1900, $0x38;
	[tilespmem:$0x1F080] =	vst v63  }
0x42: {  	_ =	swait.ge [sflag:s18], $0x1900  }
0x43: {  	[sflag:s18] =	ssyncset.done $0x0  }
0x44: {  	[sflag:s18] =	ssyncadd.s32 $0xFFFFE700  }
0x45: {  	_ =	swait.ge [sflag:s18], $0x1900  }
0x46: {  	[sflag:s18] =	ssyncset.done $0x0  }
0x47: {  	s30 =	simm.s32 $0x18CA0;
	[sflag:s18] =	ssyncadd.s32 $0xFFFFE700  }
0x48: {  	s31 =	simm.s32 $0x1A5A0;
	v2 =	vld [tilespmem:s30+$0x10]  }
0x49: {  	v5 =	vld [tilespmem:s31+$0x10]  }
0x4a: {  	v3 =	vld [tilespmem:s30+$0x0]  }
0x4b: {  	v6 =	vld [tilespmem:s31+$0x0]  }
0x4c: {  	v7 =	vld [tilespmem:s31+$0xFFFFFFE0]  }
0x4d: {  	v12 =	vld [tilespmem:s31+$0xFFFFFFF0]  }
0x4e: {  	v4 =	vld [tilespmem:s30+$0xFFFFFFF0]  }
0x4f: {  	v8 =	vld [tilespmem:s30+$0xFFFFFFE0]  }
0x50: {  	v9 =	vld.idx.msk [tilespmem:v2+s3+$0x0], $0xffff  }
0x51: {  	v10 =	vld.idx.msk [tilespmem:v5+s12+$0x0], $0xffff  }
0x52: {  	v11 =	vld.idx.msk [tilespmem:v3+s3+$0x0], $0xffff  }
0x53: {  	v13 =	vld.idx.msk [tilespmem:v6+s12+$0x0], $0xffff  }
0x54: {  	s26 =	simm.s32 $0x18CE0  }
0x55: {  	v22 =	vld [tilespmem:s26+$0x10];
	v14 =	vshll.u32 v4, $0x2  }
0x56: {  	v33 =	vld [tilespmem:s26+$0x0];
	v15 =	vshll.u32 v3, $0x2;
	v16 =	vshll.u32 v8, $0x2;
	v18 =	vshll.u32 v2, $0x2  }
0x57: {  	v14 =	vand.u32 $0xFFFFFE00, v14;
	v16 =	vand.u32 $0xFFFFFE00, v16;
	v17 =	vld.idx.msk [tilespmem:v7+s12+$0x0], $0xffff;
	v9 =	vadd.f32 v10, v9  }
0x58: {  	v15 =	vand.u32 $0xFFFFFE00, v15;
	v19 =	vld.idx.msk [tilespmem:v4+s3+$0x0], $0xffff;
	v3 =	vand.u32 $0x7F, v3;
	v11 =	vadd.f32 v13, v11  }
0x59: {  	v4 =	vand.u32 $0x7F, v4;
	v10 =	vand.u32 $0xFFFFFE00, v18;
	v13 =	vld.idx.msk [tilespmem:v12+s12+$0x0], $0xffff;
	v18 =	vmul.f32 $2.000000030e-01, v9  }
0x5a: {  	v20 =	vld.idx.msk [tilespmem:v8+s3+$0x0], $0xffff;
	v8 =	vand.u32 $0x7F, v8;
	vm0 =	vgt.f32 v9, $0.0e+00;
	v21 =	vmul.f32 $2.000000030e-01, v11  }
0x5b: {  	v2 =	vand.u32 $0x7F, v2;
	v18 =	vsel vm0, v9, v18;
	vm0 =	vgt.f32 v11, $0.0e+00  }
0x5c: {  	v9 =	vor.u32 v8, v16;
	v8 =	vmul.f32 $1.442695020e+00, v18;
	v11 =	vsel vm0, v11, v21  }
0x5d: {  	v28 =	vor.u32 v3, v15;
	v10 =	vor.u32 v2, v10;
	v2 =	vmul.f32 $1.442695020e+00, v11  }
0x5e: {  	v29 =	vor.u32 v4, v14;
	v11 =	vadd.f32 v13, v19;
	(erf) = vpow2.f32 v8  }
0x5f: {  	v26 =	vld [tilespmem:s26+$0xFFFFFFE0];
	v4 =	vshll.u32 v6, $0x2;
	v3 =	vadd.f32 v17, v20;
	(erf) = vpow2.f32 v2  }
0x60: {  	v40 =	vld.idx.msk [tilespmem:v22+s3+$0x0], $0xffff;
	v17 =	vand.u32 $0x7F, v5;
	v20 =	vand.u32 $0x7F, v12;
	v2 =	vmul.f32 $2.000000030e-01, v11  }
0x61: {  	v41 =	vld.idx.msk [tilespmem:v33+s3+$0x0], $0xffff;
	vm1 =	vgt.f32 v3, $0.0e+00;
	v8 =	vmul.f32 $2.000000030e-01, v3;
	vm0 =	vgt.f32 v11, $0.0e+00  }
0x62: {  	v21 =	vld [tilespmem:s26+$0xFFFFFFF0];
	v13 =	vand.u32 $0xFFFFFE00, v4;
	v4 =	vshll.u32 v5, $0x2;
	v2 =	vsel vm0, v11, v2  }
0x63: {  	v19 =	vshll.u32 v12, $0x2;
	v3 =	vsel vm1, v3, v8;
	v11 =	vld.idx.msk [tilespmem:v10+s13+$0x0], $0xffff;
	v2 =	vmul.f32 $1.442695020e+00, v2  }
0x64: {  	v4 =	vand.u32 $0xFFFFFE00, v4;
	v19 =	vand.u32 $0xFFFFFE00, v19;
	v8 =	vld.idx.msk [tilespmem:v28+s13+$0x0], $0xffff;
	v15 =	vmul.f32 $1.442695020e+00, v3  }
0x65: {  	s25 =	simm.s32 $0x1A5E0;
	v16 =	vld.idx.msk [tilespmem:v29+s13+$0x0], $0xffff;
	v32 =	vor.u32 v17, v4;
	(erf) = vpow2.f32 v2;
	v2 =	vand.u32 $0x7F, v6  }
0x66: {  	v19 =	vor.u32 v20, v19;
	v20 =	vld [tilespmem:s25+$0x10];
	(erf) = vpow2.f32 v15;
	v35 =	vor.u32 v2, v13  }
0x67: {  	v4 =	vld [tilespmem:s25+$0xFFFFFFF0];
	v13 =	vpop (erf)  }
0x68: {  	v14 =	vld.idx.msk [tilespmem:v9+s13+$0x0], $0xffff;
	v2 =	vor.u32 $0x80, v28;
	v15 =	vmul.f32 v13, v11;
	v17 =	vpop (erf)  }
0x69: {  	v3 =	vld [tilespmem:s25+$0xFFFFFFE0];
	v8 =	vmul.f32 v17, v8  }
0x6a: {  	v18 =	vor.u32 $0x80, v10;
	[tilespmem:v32+s19+$0x0] =	vst.idx.add.f32.msk $0xffff, v15;
	v15 =	vshll.u32 v7, $0x2  }
0x6b: {  	v49 =	vsub.s32 v6, v0;
	v39 =	vsub.s32 v7, v0;
	[tilespmem:v35+s19+$0x0] =	vst.idx.add.f32.msk $0xffff, v8;
	v8 =	vand.u32 $0xFFFFFE00, v15  }
0x6c: {  	v45 =	vsub.s32 v12, v0;
	v51 =	vsub.s32 v5, v0;
	v36 =	vld.idx.msk [tilespmem:v21+s3+$0x0], $0xffff;
	v15 =	vand.u32 $0x7F, v7  }
0x6d: {  	v30 =	vshll.u32 v33, $0x2;
	v62 =	vshll.u32 v22, $0x2;
	v2 =	vld.idx.msk [tilespmem:v2+s13+$0x0], $0xffff;
	v27 =	vor.u32 v15, v8  }
0x6e: {  	vm3 =	vlt.u32 v49, $0x140;
	vm2 =	vlt.u32 v51, $0x140;
	v42 =	vld.idx.msk [tilespmem:v20+s12+$0x0], $0xffff;
	v15 =	vor.u32 $0x80, v9;
	v8 =	vpop (erf)  }
0x6f: {  	v25 =	vor.u32 $0x100, v28;
	v24 =	vor.u32 $0x80, v35;
	v23 =	vld.idx.msk [tilespmem:v18+s13+$0x0], $0xffff;
	v18 =	vpop (erf);
	v16 =	vmul.f32 v8, v16  }
0x70: {  	v46 =	vor.u32 $0x100, v29;
	v11 =	vld [tilespmem:s25+$0x0];
	v7 =	vor.u32 $0x80, v29;
	v14 =	vmul.f32 v18, v14  }
0x71: {  	v55 =	vor.u32 $0x180, v28;
	v61 =	vor.u32 $0x180, v10;
	v37 =	vor.u32 $0x100, v9;
	[tilespmem:v19+s19+$0x0] =	vst.idx.add.f32.msk $0xffff, v16  }
0x72: {  	v58 =	vor.u32 $0x180, v9;
	vm1 =	vgt.s32 v39, $0x0;
	v2 =	vmul.f32 v17, v2;
	[tilespmem:v27+s19+$0x0] =	vst.idx.add.f32.msk $0xffff, v14  }
0x73: {  	v44 =	vor.u32 $0x80, v19;
	v47 =	vor.u32 $0x100, v32;
	vm0 =	vgt.s32 v49, $0x0;
	v14 =	vld.idx.msk [tilespmem:v15+s13+$0x0], $0xffff  }
0x74: {  	v43 =	vnsel vm1, $0x0, v39;
	vm1 =	vgt.s32 v51, $0x0;
	v16 =	vor.u32 $0x80, v32;
	[tilespmem:v24+s19+$0x0] =	vst.idx.add.f32.msk $0xffff, v2  }
0x75: {  	v52 =	vnsel vm1, $0x0, v51;
	v6 =	vor.u32 $0x100, v10;
	v2 =	vmul.f32 v13, v23;
	v23 =	vld.idx.msk [tilespmem:v7+s13+$0x0], $0xffff  }
0x76: {  	v10 =	vsub.s32 v20, v0;
	v28 =	vshll.u32 v20, $0x2;
	v31 =	vld.idx.msk [tilespmem:v3+s12+$0x0], $0xffff;
	v5 =	vor.u32 $0x80, v27  }
0x77: {  	vm1 =	vgt.s32 v10, $0x0;
	v38 =	vor.u32 $0x100, v35;
	v28 =	vand.u32 $0xFFFFFE00, v28;
	v12 =	vld.idx.msk [tilespmem:v25+s13+$0x0], $0xffff  }
0x78: {  	v56 =	vor.u32 $0x100, v27;
	v32 =	vor.u32 $0x180, v32;
	v15 =	vnsel vm0, $0x0, v49;
	v49 =	vld.idx.msk [tilespmem:v4+s12+$0x0], $0xffff  }
0x79: {  	vm0 =	vgt.s32 v45, $0x0;
	v7 =	vshll.u32 v21, $0x2;
	[tilespmem:v16+s19+$0x0] =	vst.idx.add.f32.msk $0xffff, v2;
	v24 =	vmul.f32 v18, v14  }
0x7a: {  	v15 =	vmin.u32 v15, $0x13F;
	v50 =	vnsel vm0, $0x0, v45;
	v34 =	vld.idx.msk [tilespmem:v6+s13+$0x0], $0xffff;
	v53 =	vmul.f32 v8, v23  }
0x7b: {  	v25 =	vand.u32 $0xFFFFFE00, v7;
	v7 =	vsub.s32 v11, v0;
	v16 =	vshll.u32 v3, $0x2;
	[tilespmem:v5+s19+$0x0] =	vst.idx.add.f32.msk $0xffff, v24  }
0x7c: {  	v2 =	vsub.s32 v3, v0;
	v6 =	vshll.u32 v4, $0x2;
	v12 =	vmul.f32 v17, v12;
	[tilespmem:v44+s19+$0x0] =	vst.idx.add.f32.msk $0xffff, v53  }
0x7d: {  	v16 =	vand.u32 $0xFFFFFE00, v16;
	vm0 =	vgt.s32 v2, $0x0;
	v14 =	vand.u32 $0xFFFFFE00, v6;
	v54 =	vld.idx.msk [tilespmem:v37+s13+$0x0], $0xffff  }
0x7e: {  	v6 =	vshll.u32 v11, $0x2;
	v5 =	vnsel vm0, $0x0, v2;
	vm0 =	vgt.s32 v7, $0x0;
	[tilespmem:v38+s19+$0x0] =	vst.idx.add.f32.msk $0xffff, v12  }
0x7f: {  	v24 =	vand.u32 $0xFFFFFE00, v6;
	v48 =	vnsel vm0, $0x0, v7;
	v57 =	vld.idx.msk [tilespmem:v46+s13+$0x0], $0xffff;
	v12 =	vmul.f32 v13, v34  }
0x80: {  	v6 =	vsub.s32 v4, v0;
	v44 =	vor.u32 $0x180, v29;
	v23 =	vmin.u32 v48, $0x13F;
	v48 =	vld.idx.msk [tilespmem:v11+s12+$0x0], $0xffff  }
0x81: {  	v29 =	vmin.u32 v50, $0x13F;
	v37 =	vshll.u32 v26, $0x2;
	v46 =	vor.u32 $0x100, v19;
	[tilespmem:v47+s19+$0x0] =	vst.idx.add.f32.msk $0xffff, v12  }
0x82: {  	vm0 =	vgt.s32 v6, $0x0;
	v38 =	vand.u32 $0x7F, v33;
	v47 =	vld.idx.msk [tilespmem:v55+s13+$0x0], $0xffff;
	v63 =	vmul.f32 v18, v54  }
0x83: {  	v9 =	vnsel vm0, $0x0, v6;
	vm0 =	vlt.u32 v45, $0x140;
	v12 =	vnsel vm1, $0x0, v10;
	v45 =	vld.idx.msk [tilespmem:v61+s13+$0x0], $0xffff  }
0x84: {  	vm1 =	vlt.u32 v39, $0x140;
	v39 =	vor.u32 $0x180, v35;
	v50 =	vmul.f32 v8, v57;
	[tilespmem:v56+s19+$0x0] =	vst.idx.add.f32.msk $0xffff, v63  }
0x85: {  	s28 =	simm.s32 $0x4;
	v33 =	vmin.u32 v43, $0x13F;
	v34 =	vand.u32 $0xFFFFFE00, v62;
	v35 =	vmin.u32 v52, $0x13F;
	v43 =	vld.idx.msk [tilespmem:v58+s13+$0x0], $0xffff  }
.LBB2_5:
0x86: {  	s28 =	sadd.s32 $0x4, s28;
	v40 =	vadd.f32 v42, v40;
	v27 =	vor.u32 $0x180, v27;
	[tilespmem:v46+s19+$0x0] =	vst.idx.add.f32.msk $0xffff, v50;
	v19 =	vor.u32 $0x180, v19  }
0x87: {  	v37 =	vand.u32 $0xFFFFFE00, v37;
	v21 =	vand.u32 $0x7F, v21;
	p0 =	slt.u32 s28, $0x18C;
	v42 =	vld.idx.msk [tilespmem:v44+s13+$0x0], $0xffff;
	v44 =	vmul.f32 v47, v17  }
0x88: {  	v41 =	vadd.f32 v48, v41;
	v45 =	vmul.f32 v45, v13;
	v46 =	vld.idx.msk [tilespmem:v26+s3+$0x0], $0xffff;
	v47 =	vmul.f32 $2.000000030e-01, v40  }
0x89: {  	v22 =	vand.u32 $0x7F, v22;
	v26 =	vand.u32 $0x7F, v26;
	vm4 =	vgt.f32 v40, $0.0e+00;
	[tilespmem:v39+s19+$0x0] =	vst.idx.add.f32.msk $0xffff, v44  }
0x8a: {  	v39 =	vmul.f32 $2.000000030e-01, v41;
	v43 =	vmul.f32 v43, v18;
	v40 =	vsel vm4, v40, v47;
	[tilespmem:v32+s19+$0x0] =	vst.idx.add.f32.msk $0xffff, v45  }
0x8b: {  	v32 =	vor.u32 v26, v37;
	vm4 =	vgt.f32 v41, $0.0e+00;
	v26 =	vmul.f32 $1.442695020e+00, v40;
	[tilespmem:v15+s20+$0x0] =	vst.idx.add.f32.msk vm3, v17;
	v15 =	vmovc v23  }
0x8c: {  	v34 =	vor.u32 v22, v34;
	v17 =	vsel vm4, v41, v39;
	v23 =	vand.u32 $0xFFFFFE00, v30;
	[tilespmem:v27+s19+$0x0] =	vst.idx.add.f32.msk $0xffff, v43  }
0x8d: {  	v22 =	vadd.f32 v49, v36;
	v17 =	vmul.f32 $1.442695020e+00, v17;
	v27 =	vmul.f32 v42, v8;
	[tilespmem:v35+s20+$0x0] =	vst.idx.add.f32.msk vm2, v13  }
0x8e: {  	v38 =	vor.u32 v38, v23;
	v13 =	vadd.f32 v31, v46;
	(erf) = vpow2.f32 v26;
	[tilespmem:v33+s20+$0x0] =	vst.idx.add.f32.msk vm1, v18  }
0x8f: {  	v18 =	vmul.f32 $2.000000030e-01, v22;
	v33 =	vor.u32 v21, v25;
	(erf) = vpow2.f32 v17;
	[tilespmem:v19+s19+$0x0] =	vst.idx.add.f32.msk $0xffff, v27  }
0x90: {  	vm1 =	vgt.f32 v22, $0.0e+00;
	v17 =	vmul.f32 $2.000000030e-01, v13;
	[tilespmem:v29+s20+$0x0] =	vst.idx.add.f32.msk vm0, v8  }
0x91: {  	vm0 =	vgt.f32 v13, $0.0e+00;
	v8 =	vsel vm1, v22, v18;
	v23 =	vld.idx.msk [tilespmem:v32+s13+$0x0], $0xffff  }
0x92: {  	v13 =	vsel vm0, v13, v17;
	v8 =	vmul.f32 $1.442695020e+00, v8;
	v17 =	vld.idx.msk [tilespmem:v34+s13+$0x0], $0xffff  }
0x93: {  	v13 =	vmul.f32 $1.442695020e+00, v13;
	v18 =	vld.idx.msk [tilespmem:v38+s13+$0x0], $0xffff  }
0x94: {  	s25 =	sadd.s32 $0x40, s25;
	v19 =	vand.u32 $0x7F, v20;
	v29 =	vld.idx.msk [tilespmem:v33+s13+$0x0], $0xffff;
	(erf) = vpow2.f32 v8  }
0x95: {  	v11 =	vand.u32 $0x7F, v11;
	v35 =	vor.u32 v19, v28;
	v8 =	vld [tilespmem:s25+$0xFFFFFFE0];
	(erf) = vpow2.f32 v13  }
0x96: {  	s26 =	sadd.s32 $0x40, s26;
	v39 =	vor.u32 v11, v24;
	v19 =	vld [tilespmem:s25+$0xFFFFFFF0]  }
0x97: {  	v20 =	vor.u32 $0x80, v38;
	v21 =	vld [tilespmem:s26+$0xFFFFFFF0];
	v13 =	vpop (erf)  }
0x98: {  	v22 =	vld [tilespmem:s26+$0x10];
	v24 =	vmul.f32 v13, v17;
	v17 =	vpop (erf)  }
0x99: {  	v26 =	vor.u32 $0x80, v34;
	v11 =	vld [tilespmem:s25+$0x0];
	v18 =	vmul.f32 v17, v18  }
0x9a: {  	v27 =	vand.u32 $0x7F, v3;
	v25 =	vshll.u32 v8, $0x2;
	v43 =	vsub.s32 v8, v0;
	[tilespmem:v35+s19+$0x0] =	vst.idx.add.f32.msk $0xffff, v24;
	v3 =	vmovc v8  }
0x9b: {  	v24 =	vand.u32 $0x7F, v4;
	v28 =	vand.u32 $0xFFFFFE00, v25;
	v30 =	vshll.u32 v19, $0x2;
	[tilespmem:v39+s19+$0x0] =	vst.idx.add.f32.msk $0xffff, v18;
	v4 =	vmovc v19  }
0x9c: {  	v19 =	vor.u32 v24, v14;
	v37 =	vshll.u32 v21, $0x2;
	v14 =	vand.u32 $0xFFFFFE00, v30;
	v31 =	vld.idx.msk [tilespmem:v20+s13+$0x0], $0xffff  }
0x9d: {  	v27 =	vor.u32 v27, v16;
	vm0 =	vgt.s32 v43, $0x0;
	v25 =	vand.u32 $0xFFFFFE00, v37;
	v44 =	vld [tilespmem:s26+$0x0];
	v8 =	vpop (erf)  }
0x9e: {  	v36 =	vor.u32 $0x80, v32;
	v40 =	vor.u32 $0x80, v39;
	v20 =	vshll.u32 v11, $0x2;
	v41 =	vld.idx.msk [tilespmem:v26+s13+$0x0], $0xffff;
	v18 =	vpop (erf)  }
0x9f: {  	v16 =	vmovc v28;
	v29 =	vmul.f32 v8, v29;
	v26 =	vld [tilespmem:s26+$0xFFFFFFE0];
	v24 =	vand.u32 $0xFFFFFE00, v20;
	v23 =	vmul.f32 v18, v23  }
0xa0: {  	v49 =	vnsel vm0, $0x0, v43;
	v28 =	vor.u32 $0x100, v38;
	v51 =	vsub.s32 v11, v0;
	v20 =	vld [tilespmem:s25+$0x10]  }
0xa1: {  	v42 =	vor.u32 $0x80, v35;
	vm0 =	vgt.s32 v51, $0x0;
	[tilespmem:v19+s19+$0x0] =	vst.idx.add.f32.msk $0xffff, v29;
	v29 =	vor.u32 $0x80, v33  }
0xa2: {  	v45 =	vor.u32 $0x100, v34;
	v31 =	vmul.f32 v17, v31;
	v30 =	vshll.u32 v44, $0x2;
	[tilespmem:v27+s19+$0x0] =	vst.idx.add.f32.msk $0xffff, v23  }
0xa3: {  	v50 =	vsub.s32 v4, v0;
	v23 =	vnsel vm0, $0x0, v51;
	v36 =	vld.idx.msk [tilespmem:v36+s13+$0x0], $0xffff  }
0xa4: {  	v23 =	vmin.u32 v23, $0x13F;
	v37 =	vshll.u32 v26, $0x2;
	[tilespmem:v40+s19+$0x0] =	vst.idx.add.f32.msk $0xffff, v31;
	v31 =	vmul.f32 v13, v41  }
0xa5: {  	vm0 =	vgt.s32 v50, $0x0;
	v40 =	vshll.u32 v20, $0x2;
	v52 =	vsub.s32 v20, v0;
	v41 =	vld.idx.msk [tilespmem:v28+s13+$0x0], $0xffff  }
0xa6: {  	v46 =	vor.u32 $0x80, v27;
	v28 =	vand.u32 $0xFFFFFE00, v40;
	vm1 =	vgt.s32 v52, $0x0;
	[tilespmem:v42+s19+$0x0] =	vst.idx.add.f32.msk $0xffff, v31  }
0xa7: {  	v53 =	vnsel vm0, $0x0, v50;
	v54 =	vnsel vm1, $0x0, v52;
	v45 =	vld.idx.msk [tilespmem:v45+s13+$0x0], $0xffff  }
0xa8: {  	v29 =	vld.idx.msk [tilespmem:v29+s13+$0x0], $0xffff  }
0xa9: {  	v36 =	vmul.f32 v18, v36;
	v40 =	vld.idx.msk [tilespmem:v22+s3+$0x0], $0xffff  }
0xaa: {  	v47 =	vor.u32 $0x100, v32;
	v31 =	vld.idx.msk [tilespmem:v3+s12+$0x0], $0xffff  }
0xab: {  	v48 =	vor.u32 $0x100, v39;
	[tilespmem:v46+s19+$0x0] =	vst.idx.add.f32.msk $0xffff, v36;
	v46 =	vmul.f32 v17, v41  }
0xac: {  	v55 =	vor.u32 $0x80, v19;
	v42 =	vld.idx.msk [tilespmem:v20+s12+$0x0], $0xffff  }
0xad: {  	v56 =	vor.u32 $0x100, v33;
	v45 =	vmul.f32 v13, v45;
	v41 =	vld.idx.msk [tilespmem:v44+s3+$0x0], $0xffff  }
0xae: {  	v57 =	vor.u32 $0x100, v35;
	v29 =	vmul.f32 v8, v29;
	v36 =	vld.idx.msk [tilespmem:v21+s3+$0x0], $0xffff  }
0xaf: {  	v47 =	vld.idx.msk [tilespmem:v47+s13+$0x0], $0xffff  }
0xb0: {  	v58 =	vor.u32 $0x180, v38;
	[tilespmem:v48+s19+$0x0] =	vst.idx.add.f32.msk $0xffff, v46  }
0xb1: {  	v38 =	vshll.u32 v22, $0x2;
	[tilespmem:v55+s19+$0x0] =	vst.idx.add.f32.msk $0xffff, v29;
	v29 =	vor.u32 $0x180, v34  }
0xb2: {  	v34 =	vand.u32 $0xFFFFFE00, v38;
	v55 =	vor.u32 $0x100, v27;
	v56 =	vld.idx.msk [tilespmem:v56+s13+$0x0], $0xffff  }
0xb3: {  	v32 =	vor.u32 $0x180, v32;
	v38 =	vand.u32 $0x7F, v44;
	[tilespmem:v57+s19+$0x0] =	vst.idx.add.f32.msk $0xffff, v45  }
0xb4: {  	v48 =	vld.idx.msk [tilespmem:v11+s12+$0x0], $0xffff  }
.Ltmp1:
0xb5: {  	v46 =	vor.u32 $0x100, v19;
	v57 =	vmul.f32 v18, v47;
	v47 =	vld.idx.msk [tilespmem:v58+s13+$0x0], $0xffff;
	(pc) =	sbr.rel @p0 .LBB2_5-.Ltmp1, $4  }
0xb6: {  	vm0 =	vlt.u32 v6, $0x140;
	v6 =	vmov v50;
	v44 =	vor.u32 $0x180, v33;
	v45 =	vld.idx.msk [tilespmem:v29+s13+$0x0], $0xffff  }
0xb7: {  	vm1 =	vlt.u32 v2, $0x140;
	v2 =	vmovc v43;
	v33 =	vmin.u32 v5, $0x13F;
	v5 =	vmovc v49;
	v29 =	vmin.u32 v9, $0x13F;
	[tilespmem:v55+s19+$0x0] =	vst.idx.add.f32.msk $0xffff, v57  }
0xb8: {  	vm3 =	vlt.u32 v7, $0x140;
	v39 =	vor.u32 $0x180, v39;
	v7 =	vmovc v51;
	v9 =	vmovc v53;
	v50 =	vmul.f32 v8, v56;
	v43 =	vld.idx.msk [tilespmem:v32+s13+$0x0], $0xffff  }
0xb9: {  	vm2 =	vlt.u32 v10, $0x140;
	v10 =	vmovc v52;
	v32 =	vor.u32 $0x180, v35;
	v35 =	vmin.u32 v12, $0x13F;
	v12 =	vmovc v54;
	v49 =	vld.idx.msk [tilespmem:v4+s12+$0x0], $0xffff  }
0xba: {  	_ =	sdelay $0x1  }
0xbb: {  	v40 =	vadd.f32 v42, v40  }
0xbc: {  	v41 =	vadd.f32 v48, v41  }
0xbd: {  	v62 =	vld.idx.msk [tilespmem:v26+s3+$0x0], $0xffff;
	v63 =	vmul.f32 $2.000000030e-01, v40  }
0xbe: {  	vm4 =	vgt.f32 v40, $0.0e+00;
	v51 =	vmul.f32 $2.000000030e-01, v41  }
0xbf: {  	v27 =	vor.u32 $0x180, v27;
	v40 =	vsel vm4, v40, v63;
	vm4 =	vgt.f32 v41, $0.0e+00  }
0xc0: {  	v37 =	vand.u32 $0xFFFFFE00, v37;
	v40 =	vmul.f32 $1.442695020e+00, v40;
	v41 =	vsel vm4, v41, v51  }
0xc1: {  	v47 =	vmul.f32 v47, v17;
	v36 =	vadd.f32 v49, v36;
	v41 =	vmul.f32 $1.442695020e+00, v41  }
0xc2: {  	v30 =	vand.u32 $0xFFFFFE00, v30;
	v31 =	vadd.f32 v31, v62;
	(erf) = vpow2.f32 v40  }
0xc3: {  	v30 =	vor.u32 v38, v30;
	v48 =	vmul.f32 $2.000000030e-01, v36;
	(erf) = vpow2.f32 v41  }
0xc4: {  	[tilespmem:v46+s19+$0x0] =	vst.idx.add.f32.msk $0xffff, v50;
	v22 =	vand.u32 $0x7F, v22;
	vm4 =	vgt.f32 v36, $0.0e+00;
	v50 =	vmul.f32 $2.000000030e-01, v31  }
0xc5: {  	v21 =	vand.u32 $0x7F, v21;
	[tilespmem:v39+s19+$0x0] =	vst.idx.add.f32.msk $0xffff, v47;
	v36 =	vsel vm4, v36, v48;
	vm4 =	vgt.f32 v31, $0.0e+00  }
0xc6: {  	v22 =	vor.u32 v22, v34;
	[tilespmem:v15+s20+$0x0] =	vst.idx.add.f32.msk vm3, v17;
	v31 =	vsel vm4, v31, v50;
	v52 =	vmul.f32 $1.442695020e+00, v36  }
0xc7: {  	v26 =	vand.u32 $0x7F, v26;
	v53 =	vmul.f32 v43, v18;
	v51 =	vld.idx.msk [tilespmem:v44+s13+$0x0], $0xffff;
	v31 =	vmul.f32 $1.442695020e+00, v31  }
0xc8: {  	v21 =	vor.u32 v21, v25;
	v49 =	vmul.f32 v45, v13;
	v25 =	vld.idx.msk [tilespmem:v30+s13+$0x0], $0xffff;
	(erf) = vpow2.f32 v52  }
0xc9: {  	v11 =	vand.u32 $0x7F, v11;
	v26 =	vor.u32 v26, v37;
	[tilespmem:v27+s19+$0x0] =	vst.idx.add.f32.msk $0xffff, v53;
	(erf) = vpow2.f32 v31  }
0xca: {  	v11 =	vor.u32 v11, v24;
	[tilespmem:v32+s19+$0x0] =	vst.idx.add.f32.msk $0xffff, v49  }
0xcb: {  	v17 =	vor.u32 $0x80, v30;
	v15 =	vld.idx.msk [tilespmem:v22+s13+$0x0], $0xffff;
	v24 =	vpop (erf)  }
0xcc: {  	[tilespmem:v35+s20+$0x0] =	vst.idx.add.f32.msk vm2, v13;
	v13 =	vand.u32 $0x7F, v20;
	v20 =	vpop (erf)  }
0xcd: {  	v27 =	vld.idx.msk [tilespmem:v21+s13+$0x0], $0xffff;
	v13 =	vor.u32 v13, v28;
	v25 =	vmul.f32 v20, v25  }
0xce: {  	v4 =	vand.u32 $0x7F, v4;
	v28 =	vld.idx.msk [tilespmem:v26+s13+$0x0], $0xffff;
	v31 =	vor.u32 $0x80, v22  }
0xcf: {  	v3 =	vand.u32 $0x7F, v3;
	v4 =	vor.u32 v4, v14;
	[tilespmem:v11+s19+$0x0] =	vst.idx.add.f32.msk $0xffff, v25  }
0xd0: {  	v3 =	vor.u32 v3, v16;
	v14 =	vmul.f32 v24, v15;
	v15 =	vld.idx.msk [tilespmem:v17+s13+$0x0], $0xffff  }
0xd1: {  	[tilespmem:v33+s20+$0x0] =	vst.idx.add.f32.msk vm1, v18;
	v16 =	vpop (erf);
	v17 =	vor.u32 $0x80, v26  }
0xd2: {  	[tilespmem:v13+s19+$0x0] =	vst.idx.add.f32.msk $0xffff, v14;
	v14 =	vor.u32 $0x80, v11;
	v18 =	vpop (erf);
	v25 =	vmul.f32 v16, v27  }
0xd3: {  	v27 =	vld.idx.msk [tilespmem:v31+s13+$0x0], $0xffff;
	v31 =	vor.u32 $0x100, v30;
	v28 =	vmul.f32 v18, v28  }
0xd4: {  	[tilespmem:v4+s19+$0x0] =	vst.idx.add.f32.msk $0xffff, v25;
	v25 =	vor.u32 $0x80, v21  }
0xd5: {  	v54 =	vor.u32 $0x80, v13;
	[tilespmem:v3+s19+$0x0] =	vst.idx.add.f32.msk $0xffff, v28;
	v15 =	vmul.f32 v20, v15  }
0xd6: {  	v19 =	vor.u32 $0x180, v19;
	v17 =	vld.idx.msk [tilespmem:v17+s13+$0x0], $0xffff  }
0xd7: {  	v28 =	vor.u32 $0x100, v22;
	[tilespmem:v14+s19+$0x0] =	vst.idx.add.f32.msk $0xffff, v15  }
0xd8: {  	v14 =	vmul.f32 v24, v27;
	v27 =	vor.u32 $0x80, v3;
	v15 =	vld.idx.msk [tilespmem:v31+s13+$0x0], $0xffff  }
0xd9: {  	v55 =	vmul.f32 v51, v8;
	v25 =	vld.idx.msk [tilespmem:v25+s13+$0x0], $0xffff;
	v31 =	vor.u32 $0x100, v26  }
0xda: {  	[tilespmem:v54+s19+$0x0] =	vst.idx.add.f32.msk $0xffff, v14;
	v14 =	vor.u32 $0x100, v11  }
0xdb: {  	v56 =	vor.u32 $0x80, v4;
	[tilespmem:v19+s19+$0x0] =	vst.idx.add.f32.msk $0xffff, v55;
	v17 =	vmul.f32 v18, v17  }
0xdc: {  	v19 =	vor.u32 $0x100, v21;
	v28 =	vld.idx.msk [tilespmem:v28+s13+$0x0], $0xffff  }
0xdd: {  	v30 =	vor.u32 $0x180, v30;
	[tilespmem:v27+s19+$0x0] =	vst.idx.add.f32.msk $0xffff, v17;
	v15 =	vmul.f32 v20, v15  }
0xde: {  	v17 =	vor.u32 $0x100, v13;
	v25 =	vmul.f32 v16, v25;
	v27 =	vld.idx.msk [tilespmem:v31+s13+$0x0], $0xffff  }
0xdf: {  	[tilespmem:v14+s19+$0x0] =	vst.idx.add.f32.msk $0xffff, v15;
	v14 =	vor.u32 $0x180, v22  }
0xe0: {  	[tilespmem:v56+s19+$0x0] =	vst.idx.add.f32.msk $0xffff, v25;
	v22 =	vor.u32 $0x100, v3  }
0xe1: {  	v25 =	vor.u32 $0x180, v26;
	v15 =	vmul.f32 v24, v28;
	v19 =	vld.idx.msk [tilespmem:v19+s13+$0x0], $0xffff  }
0xe2: {  	v26 =	vld.idx.msk [tilespmem:v30+s13+$0x0], $0xffff  }
0xe3: {  	[tilespmem:v17+s19+$0x0] =	vst.idx.add.f32.msk $0xffff, v15;
	v17 =	vor.u32 $0x100, v4;
	v15 =	vmul.f32 v18, v27  }
0xe4: {  	v21 =	vor.u32 $0x180, v21;
	v14 =	vld.idx.msk [tilespmem:v14+s13+$0x0], $0xffff  }
0xe5: {  	vm1 =	vlt.u32 v7, $0x140;
	v11 =	vor.u32 $0x180, v11;
	[tilespmem:v22+s19+$0x0] =	vst.idx.add.f32.msk $0xffff, v15  }
0xe6: {  	v19 =	vmul.f32 v16, v19;
	v15 =	vld.idx.msk [tilespmem:v25+s13+$0x0], $0xffff  }
0xe7: {  	v7 =	vor.u32 $0x180, v13;
	[tilespmem:v29+s20+$0x0] =	vst.idx.add.f32.msk vm0, v8  }
0xe8: {  	vm0 =	vlt.u32 v10, $0x140;
	v3 =	vor.u32 $0x180, v3;
	v8 =	vmul.f32 v26, v20;
	[tilespmem:v17+s19+$0x0] =	vst.idx.add.f32.msk $0xffff, v19  }
0xe9: {  	vm2 =	vlt.u32 v2, $0x140;
	v2 =	vmin.u32 v12, $0x13F;
	v10 =	vld.idx.msk [tilespmem:v21+s13+$0x0], $0xffff  }
0xea: {  	v5 =	vmin.u32 v5, $0x13F;
	[tilespmem:v11+s19+$0x0] =	vst.idx.add.f32.msk $0xffff, v8;
	v12 =	vmul.f32 v14, v24  }
0xeb: {  	vm3 =	vlt.u32 v6, $0x140;
	v4 =	vor.u32 $0x180, v4;
	[tilespmem:v23+s20+$0x0] =	vst.idx.add.f32.msk vm1, v20;
	v6 =	vmul.f32 v15, v18  }
0xec: {  	[tilespmem:v7+s19+$0x0] =	vst.idx.add.f32.msk $0xffff, v12;
	v7 =	vmin.u32 v9, $0x13F  }
0xed: {  	[tilespmem:v3+s19+$0x0] =	vst.idx.add.f32.msk $0xffff, v6  }
0xee: {  	p0 =	seq.s32 s23, $0x18;
	v3 =	vmul.f32 v10, v16;
	[tilespmem:v2+s20+$0x0] =	vst.idx.add.f32.msk vm0, v24  }
0xef: {  	s24 =	sshrl.u32 @!p0 s24, $0x3;
	[tilespmem:v5+s20+$0x0] =	vst.idx.add.f32.msk vm2, v18  }
0xf0: {  	s24 =	sadd.s32 @!p0 $0x640, s24;
	[tilespmem:v4+s19+$0x0] =	vst.idx.add.f32.msk $0xffff, v3  }
0xf1: {  	s26 =	simm.s32 @!p0 $0x0;
	s28 =	simm.s32 @!p0 $0x18C80;
	s25 =	sadd.s32 @!p0 s6, s24;
	[tilespmem:v7+s20+$0x0] =	vst.idx.add.f32.msk vm3, v16  }
0xf2: {  	[tilespmem:s28], [sflag:$0x1] =	stream.linear.gather @!p0 [hbm4b:s25+s26], $0x1900, $0x38;
	[tilespmem:$0x1F080] =	vst v63  }
0xf3: {  	s24 =	sadd.s32 @!p0 s2, s24;
	s25 =	simm.s32 @!p0 $0x1A580  }
0xf4: {  	[tilespmem:s25], [sflag:$0x1] =	stream.linear.gather @!p0 [hbm4b:s24+s26], $0x1900, $0x38;
	[tilespmem:$0x1F080] =	vst v63  }
0xf5: {  	_ =	swait.ge [sflag:s21], $0x1900  }
0xf6: {  	[sflag:s21] =	ssyncset.done $0x0  }
0xf7: {  	[sflag:s21] =	ssyncadd.s32 $0xFFFFE700  }
0xf8: {  	_ =	swait.ge [sflag:s21], $0x1900  }
0xf9: {  	[sflag:s21] =	ssyncset.done $0x0  }
0xfa: {  	s30 =	simm.s32 $0x1BEA0;
	[sflag:s21] =	ssyncadd.s32 $0xFFFFE700  }
0xfb: {  	s31 =	simm.s32 $0x1D7A0;
	v2 =	vld [tilespmem:s30+$0x10]  }
0xfc: {  	v5 =	vld [tilespmem:s31+$0x10]  }
0xfd: {  	v3 =	vld [tilespmem:s30+$0x0]  }
0xfe: {  	v6 =	vld [tilespmem:s31+$0x0]  }
0xff: {  	v7 =	vld [tilespmem:s31+$0xFFFFFFE0]  }
0x100: {  	v12 =	vld [tilespmem:s31+$0xFFFFFFF0]  }
0x101: {  	v4 =	vld [tilespmem:s30+$0xFFFFFFF0]  }
0x102: {  	v8 =	vld [tilespmem:s30+$0xFFFFFFE0]  }
0x103: {  	v9 =	vld.idx.msk [tilespmem:v2+s3+$0x0], $0xffff  }
0x104: {  	v10 =	vld.idx.msk [tilespmem:v5+s12+$0x0], $0xffff  }
0x105: {  	v11 =	vld.idx.msk [tilespmem:v3+s3+$0x0], $0xffff  }
0x106: {  	v13 =	vld.idx.msk [tilespmem:v6+s12+$0x0], $0xffff  }
0x107: {  	s25 =	simm.s32 $0x1BEE0  }
0x108: {  	v22 =	vld [tilespmem:s25+$0x10];
	v14 =	vshll.u32 v4, $0x2  }
0x109: {  	v33 =	vld [tilespmem:s25+$0x0];
	v15 =	vshll.u32 v3, $0x2;
	v16 =	vshll.u32 v8, $0x2;
	v18 =	vshll.u32 v2, $0x2  }
0x10a: {  	v14 =	vand.u32 $0xFFFFFE00, v14;
	v16 =	vand.u32 $0xFFFFFE00, v16;
	v17 =	vld.idx.msk [tilespmem:v7+s12+$0x0], $0xffff;
	v9 =	vadd.f32 v10, v9  }
0x10b: {  	v15 =	vand.u32 $0xFFFFFE00, v15;
	v19 =	vld.idx.msk [tilespmem:v4+s3+$0x0], $0xffff;
	v3 =	vand.u32 $0x7F, v3;
	v11 =	vadd.f32 v13, v11  }
0x10c: {  	v4 =	vand.u32 $0x7F, v4;
	v10 =	vand.u32 $0xFFFFFE00, v18;
	v13 =	vld.idx.msk [tilespmem:v12+s12+$0x0], $0xffff;
	v18 =	vmul.f32 $2.000000030e-01, v9  }
0x10d: {  	v20 =	vld.idx.msk [tilespmem:v8+s3+$0x0], $0xffff;
	v8 =	vand.u32 $0x7F, v8;
	vm0 =	vgt.f32 v9, $0.0e+00;
	v21 =	vmul.f32 $2.000000030e-01, v11  }
0x10e: {  	v2 =	vand.u32 $0x7F, v2;
	v18 =	vsel vm0, v9, v18;
	vm0 =	vgt.f32 v11, $0.0e+00  }
0x10f: {  	v9 =	vor.u32 v8, v16;
	v8 =	vmul.f32 $1.442695020e+00, v18;
	v11 =	vsel vm0, v11, v21  }
0x110: {  	v28 =	vor.u32 v3, v15;
	v10 =	vor.u32 v2, v10;
	v2 =	vmul.f32 $1.442695020e+00, v11  }
0x111: {  	v29 =	vor.u32 v4, v14;
	v11 =	vadd.f32 v13, v19;
	(erf) = vpow2.f32 v8  }
0x112: {  	v26 =	vld [tilespmem:s25+$0xFFFFFFE0];
	v4 =	vshll.u32 v6, $0x2;
	v3 =	vadd.f32 v17, v20;
	(erf) = vpow2.f32 v2  }
0x113: {  	v40 =	vld.idx.msk [tilespmem:v22+s3+$0x0], $0xffff;
	v17 =	vand.u32 $0x7F, v5;
	v20 =	vand.u32 $0x7F, v12;
	v2 =	vmul.f32 $2.000000030e-01, v11  }
0x114: {  	v41 =	vld.idx.msk [tilespmem:v33+s3+$0x0], $0xffff;
	vm1 =	vgt.f32 v3, $0.0e+00;
	v8 =	vmul.f32 $2.000000030e-01, v3;
	vm0 =	vgt.f32 v11, $0.0e+00  }
0x115: {  	v21 =	vld [tilespmem:s25+$0xFFFFFFF0];
	v13 =	vand.u32 $0xFFFFFE00, v4;
	v4 =	vshll.u32 v5, $0x2;
	v2 =	vsel vm0, v11, v2  }
0x116: {  	v19 =	vshll.u32 v12, $0x2;
	v3 =	vsel vm1, v3, v8;
	v11 =	vld.idx.msk [tilespmem:v10+s13+$0x0], $0xffff;
	v2 =	vmul.f32 $1.442695020e+00, v2  }
0x117: {  	v4 =	vand.u32 $0xFFFFFE00, v4;
	v19 =	vand.u32 $0xFFFFFE00, v19;
	v8 =	vld.idx.msk [tilespmem:v28+s13+$0x0], $0xffff;
	v15 =	vmul.f32 $1.442695020e+00, v3  }
0x118: {  	s24 =	simm.s32 $0x1D7E0;
	v16 =	vld.idx.msk [tilespmem:v29+s13+$0x0], $0xffff;
	v32 =	vor.u32 v17, v4;
	(erf) = vpow2.f32 v2;
	v2 =	vand.u32 $0x7F, v6  }
0x119: {  	v19 =	vor.u32 v20, v19;
	v20 =	vld [tilespmem:s24+$0x10];
	(erf) = vpow2.f32 v15;
	v35 =	vor.u32 v2, v13  }
0x11a: {  	v4 =	vld [tilespmem:s24+$0xFFFFFFF0];
	v13 =	vpop (erf)  }
0x11b: {  	v14 =	vld.idx.msk [tilespmem:v9+s13+$0x0], $0xffff;
	v2 =	vor.u32 $0x80, v28;
	v15 =	vmul.f32 v13, v11;
	v17 =	vpop (erf)  }
0x11c: {  	v3 =	vld [tilespmem:s24+$0xFFFFFFE0];
	v8 =	vmul.f32 v17, v8  }
0x11d: {  	v18 =	vor.u32 $0x80, v10;
	[tilespmem:v32+s19+$0x0] =	vst.idx.add.f32.msk $0xffff, v15;
	v15 =	vshll.u32 v7, $0x2  }
0x11e: {  	v49 =	vsub.s32 v6, v0;
	v39 =	vsub.s32 v7, v0;
	[tilespmem:v35+s19+$0x0] =	vst.idx.add.f32.msk $0xffff, v8;
	v8 =	vand.u32 $0xFFFFFE00, v15  }
0x11f: {  	v45 =	vsub.s32 v12, v0;
	v51 =	vsub.s32 v5, v0;
	v36 =	vld.idx.msk [tilespmem:v21+s3+$0x0], $0xffff;
	v15 =	vand.u32 $0x7F, v7  }
0x120: {  	v30 =	vshll.u32 v33, $0x2;
	v37 =	vshll.u32 v26, $0x2;
	v2 =	vld.idx.msk [tilespmem:v2+s13+$0x0], $0xffff;
	v27 =	vor.u32 v15, v8  }
0x121: {  	v38 =	vand.u32 $0x7F, v33;
	vm3 =	vlt.u32 v49, $0x140;
	v42 =	vld.idx.msk [tilespmem:v20+s12+$0x0], $0xffff;
	v15 =	vor.u32 $0x80, v9;
	v8 =	vpop (erf)  }
0x122: {  	vm2 =	vlt.u32 v51, $0x140;
	v24 =	vor.u32 $0x80, v35;
	v23 =	vld.idx.msk [tilespmem:v18+s13+$0x0], $0xffff;
	v18 =	vpop (erf);
	v16 =	vmul.f32 v8, v16  }
0x123: {  	v25 =	vor.u32 $0x100, v28;
	v11 =	vld [tilespmem:s24+$0x0];
	v7 =	vor.u32 $0x80, v29;
	v14 =	vmul.f32 v18, v14  }
0x124: {  	v62 =	vor.u32 $0x100, v29;
	v55 =	vor.u32 $0x180, v28;
	v44 =	vor.u32 $0x180, v29;
	[tilespmem:v19+s19+$0x0] =	vst.idx.add.f32.msk $0xffff, v16  }
0x125: {  	v58 =	vor.u32 $0x100, v9;
	vm1 =	vgt.s32 v39, $0x0;
	v2 =	vmul.f32 v17, v2;
	[tilespmem:v27+s19+$0x0] =	vst.idx.add.f32.msk $0xffff, v14  }
0x126: {  	v61 =	vor.u32 $0x80, v19;
	v63 =	vor.u32 $0x100, v32;
	v46 =	vor.u32 $0x100, v19;
	v14 =	vld.idx.msk [tilespmem:v15+s13+$0x0], $0xffff  }
0x127: {  	vm0 =	vgt.s32 v49, $0x0;
	v43 =	vnsel vm1, $0x0, v39;
	v16 =	vor.u32 $0x80, v32;
	[tilespmem:v24+s19+$0x0] =	vst.idx.add.f32.msk $0xffff, v2  }
0x128: {  	vm1 =	vgt.s32 v51, $0x0;
	v6 =	vor.u32 $0x100, v10;
	v2 =	vmul.f32 v13, v23;
	v23 =	vld.idx.msk [tilespmem:v7+s13+$0x0], $0xffff  }
0x129: {  	v52 =	vnsel vm1, $0x0, v51;
	v28 =	vshll.u32 v20, $0x2;
	v31 =	vld.idx.msk [tilespmem:v3+s12+$0x0], $0xffff;
	v5 =	vor.u32 $0x80, v27  }
0x12a: {  	v33 =	vmin.u32 v43, $0x13F;
	v59 =	vor.u32 $0x100, v35;
	v28 =	vand.u32 $0xFFFFFE00, v28;
	v12 =	vld.idx.msk [tilespmem:v25+s13+$0x0], $0xffff  }
0x12b: {  	v56 =	vor.u32 $0x100, v27;
	v48 =	vld.idx.msk [tilespmem:v11+s12+$0x0], $0xffff;
	v32 =	vor.u32 $0x180, v32;
	v15 =	vnsel vm0, $0x0, v49  }
0x12c: {  	vm0 =	vgt.s32 v45, $0x0;
	v7 =	vshll.u32 v21, $0x2;
	[tilespmem:v16+s19+$0x0] =	vst.idx.add.f32.msk $0xffff, v2;
	v24 =	vmul.f32 v18, v14  }
0x12d: {  	v15 =	vmin.u32 v15, $0x13F;
	v50 =	vnsel vm0, $0x0, v45;
	v57 =	vld.idx.msk [tilespmem:v6+s13+$0x0], $0xffff;
	v53 =	vmul.f32 v8, v23  }
0x12e: {  	v25 =	vand.u32 $0xFFFFFE00, v7;
	v7 =	vsub.s32 v11, v0;
	v29 =	vmin.u32 v50, $0x13F;
	[tilespmem:v5+s19+$0x0] =	vst.idx.add.f32.msk $0xffff, v24  }
0x12f: {  	v16 =	vshll.u32 v3, $0x2;
	v2 =	vsub.s32 v3, v0;
	v12 =	vmul.f32 v17, v12;
	[tilespmem:v61+s19+$0x0] =	vst.idx.add.f32.msk $0xffff, v53  }
0x130: {  	v16 =	vand.u32 $0xFFFFFE00, v16;
	v6 =	vshll.u32 v4, $0x2;
	vm0 =	vgt.s32 v2, $0x0;
	v54 =	vld.idx.msk [tilespmem:v58+s13+$0x0], $0xffff  }
0x131: {  	v14 =	vand.u32 $0xFFFFFE00, v6;
	v6 =	vshll.u32 v11, $0x2;
	v61 =	vor.u32 $0x180, v10;
	[tilespmem:v59+s19+$0x0] =	vst.idx.add.f32.msk $0xffff, v12  }
0x132: {  	v24 =	vand.u32 $0xFFFFFE00, v6;
	v5 =	vnsel vm0, $0x0, v2;
	v12 =	vmul.f32 v13, v57;
	v57 =	vld.idx.msk [tilespmem:v62+s13+$0x0], $0xffff  }
0x133: {  	v49 =	vld.idx.msk [tilespmem:v4+s12+$0x0], $0xffff;
	vm0 =	vgt.s32 v7, $0x0;
	v6 =	vsub.s32 v4, v0;
	v58 =	vor.u32 $0x180, v9  }
0x134: {  	v10 =	vsub.s32 v20, v0;
	v60 =	vnsel vm0, $0x0, v7;
	vm0 =	vgt.s32 v6, $0x0;
	v47 =	vld.idx.msk [tilespmem:v55+s13+$0x0], $0xffff  }
0x135: {  	vm1 =	vgt.s32 v10, $0x0;
	v9 =	vnsel vm0, $0x0, v6;
	[tilespmem:v63+s19+$0x0] =	vst.idx.add.f32.msk $0xffff, v12;
	v63 =	vmul.f32 v18, v54  }
0x136: {  	v62 =	vshll.u32 v22, $0x2;
	vm0 =	vlt.u32 v45, $0x140;
	v12 =	vnsel vm1, $0x0, v10;
	v45 =	vld.idx.msk [tilespmem:v61+s13+$0x0], $0xffff  }
0x137: {  	vm1 =	vlt.u32 v39, $0x140;
	v39 =	vor.u32 $0x180, v35;
	v50 =	vmul.f32 v8, v57;
	[tilespmem:v56+s19+$0x0] =	vst.idx.add.f32.msk $0xffff, v63  }
0x138: {  	s26 =	simm.s32 $0x4;
	v23 =	vmin.u32 v60, $0x13F;
	v34 =	vand.u32 $0xFFFFFE00, v62;
	v35 =	vmin.u32 v52, $0x13F;
	v43 =	vld.idx.msk [tilespmem:v58+s13+$0x0], $0xffff  }
.LBB2_7:
0x139: {  	s26 =	sadd.s32 $0x4, s26;
	v40 =	vadd.f32 v42, v40;
	v27 =	vor.u32 $0x180, v27;
	[tilespmem:v46+s19+$0x0] =	vst.idx.add.f32.msk $0xffff, v50;
	v19 =	vor.u32 $0x180, v19  }
0x13a: {  	v37 =	vand.u32 $0xFFFFFE00, v37;
	v21 =	vand.u32 $0x7F, v21;
	p0 =	slt.u32 s26, $0x18C;
	v42 =	vld.idx.msk [tilespmem:v44+s13+$0x0], $0xffff;
	v44 =	vmul.f32 v47, v17  }
0x13b: {  	v41 =	vadd.f32 v48, v41;
	v45 =	vmul.f32 v45, v13;
	v46 =	vld.idx.msk [tilespmem:v26+s3+$0x0], $0xffff;
	v47 =	vmul.f32 $2.000000030e-01, v40  }
0x13c: {  	v22 =	vand.u32 $0x7F, v22;
	v26 =	vand.u32 $0x7F, v26;
	vm4 =	vgt.f32 v40, $0.0e+00;
	[tilespmem:v39+s19+$0x0] =	vst.idx.add.f32.msk $0xffff, v44  }
0x13d: {  	v39 =	vmul.f32 $2.000000030e-01, v41;
	v43 =	vmul.f32 v43, v18;
	v40 =	vsel vm4, v40, v47;
	[tilespmem:v32+s19+$0x0] =	vst.idx.add.f32.msk $0xffff, v45  }
0x13e: {  	v32 =	vor.u32 v26, v37;
	vm4 =	vgt.f32 v41, $0.0e+00;
	v26 =	vmul.f32 $1.442695020e+00, v40;
	[tilespmem:v15+s20+$0x0] =	vst.idx.add.f32.msk vm3, v17;
	v15 =	vmovc v23  }
0x13f: {  	v34 =	vor.u32 v22, v34;
	v17 =	vsel vm4, v41, v39;
	v23 =	vand.u32 $0xFFFFFE00, v30;
	[tilespmem:v27+s19+$0x0] =	vst.idx.add.f32.msk $0xffff, v43  }
0x140: {  	v22 =	vadd.f32 v49, v36;
	v17 =	vmul.f32 $1.442695020e+00, v17;
	v27 =	vmul.f32 v42, v8;
	[tilespmem:v35+s20+$0x0] =	vst.idx.add.f32.msk vm2, v13  }
0x141: {  	v38 =	vor.u32 v38, v23;
	v13 =	vadd.f32 v31, v46;
	(erf) = vpow2.f32 v26;
	[tilespmem:v33+s20+$0x0] =	vst.idx.add.f32.msk vm1, v18  }
0x142: {  	v18 =	vmul.f32 $2.000000030e-01, v22;
	v33 =	vor.u32 v21, v25;
	(erf) = vpow2.f32 v17;
	[tilespmem:v19+s19+$0x0] =	vst.idx.add.f32.msk $0xffff, v27  }
0x143: {  	vm1 =	vgt.f32 v22, $0.0e+00;
	v17 =	vmul.f32 $2.000000030e-01, v13;
	[tilespmem:v29+s20+$0x0] =	vst.idx.add.f32.msk vm0, v8  }
0x144: {  	vm0 =	vgt.f32 v13, $0.0e+00;
	v8 =	vsel vm1, v22, v18;
	v23 =	vld.idx.msk [tilespmem:v32+s13+$0x0], $0xffff  }
0x145: {  	v13 =	vsel vm0, v13, v17;
	v8 =	vmul.f32 $1.442695020e+00, v8;
	v17 =	vld.idx.msk [tilespmem:v34+s13+$0x0], $0xffff  }
0x146: {  	v13 =	vmul.f32 $1.442695020e+00, v13;
	v18 =	vld.idx.msk [tilespmem:v38+s13+$0x0], $0xffff  }
0x147: {  	s24 =	sadd.s32 $0x40, s24;
	v19 =	vand.u32 $0x7F, v20;
	v29 =	vld.idx.msk [tilespmem:v33+s13+$0x0], $0xffff;
	(erf) = vpow2.f32 v8  }
0x148: {  	v11 =	vand.u32 $0x7F, v11;
	v35 =	vor.u32 v19, v28;
	v8 =	vld [tilespmem:s24+$0xFFFFFFE0];
	(erf) = vpow2.f32 v13  }
0x149: {  	s25 =	sadd.s32 $0x40, s25;
	v39 =	vor.u32 v11, v24;
	v19 =	vld [tilespmem:s24+$0xFFFFFFF0]  }
0x14a: {  	v20 =	vor.u32 $0x80, v38;
	v21 =	vld [tilespmem:s25+$0xFFFFFFF0];
	v13 =	vpop (erf)  }
0x14b: {  	v22 =	vld [tilespmem:s25+$0x10];
	v24 =	vmul.f32 v13, v17;
	v17 =	vpop (erf)  }
0x14c: {  	v26 =	vor.u32 $0x80, v34;
	v11 =	vld [tilespmem:s24+$0x0];
	v18 =	vmul.f32 v17, v18  }
0x14d: {  	v27 =	vand.u32 $0x7F, v3;
	v25 =	vshll.u32 v8, $0x2;
	v43 =	vsub.s32 v8, v0;
	[tilespmem:v35+s19+$0x0] =	vst.idx.add.f32.msk $0xffff, v24;
	v3 =	vmovc v8  }
0x14e: {  	v24 =	vand.u32 $0x7F, v4;
	v28 =	vand.u32 $0xFFFFFE00, v25;
	v30 =	vshll.u32 v19, $0x2;
	[tilespmem:v39+s19+$0x0] =	vst.idx.add.f32.msk $0xffff, v18;
	v4 =	vmovc v19  }
0x14f: {  	v19 =	vor.u32 v24, v14;
	v37 =	vshll.u32 v21, $0x2;
	v14 =	vand.u32 $0xFFFFFE00, v30;
	v31 =	vld.idx.msk [tilespmem:v20+s13+$0x0], $0xffff  }
0x150: {  	v27 =	vor.u32 v27, v16;
	vm0 =	vgt.s32 v43, $0x0;
	v25 =	vand.u32 $0xFFFFFE00, v37;
	v44 =	vld [tilespmem:s25+$0x0];
	v8 =	vpop (erf)  }
0x151: {  	v36 =	vor.u32 $0x80, v32;
	v40 =	vor.u32 $0x80, v39;
	v20 =	vshll.u32 v11, $0x2;
	v41 =	vld.idx.msk [tilespmem:v26+s13+$0x0], $0xffff;
	v18 =	vpop (erf)  }
0x152: {  	v16 =	vmovc v28;
	v29 =	vmul.f32 v8, v29;
	v26 =	vld [tilespmem:s25+$0xFFFFFFE0];
	v24 =	vand.u32 $0xFFFFFE00, v20;
	v23 =	vmul.f32 v18, v23  }
0x153: {  	v49 =	vnsel vm0, $0x0, v43;
	v28 =	vor.u32 $0x100, v38;
	v51 =	vsub.s32 v11, v0;
	v20 =	vld [tilespmem:s24+$0x10]  }
0x154: {  	v42 =	vor.u32 $0x80, v35;
	vm0 =	vgt.s32 v51, $0x0;
	[tilespmem:v19+s19+$0x0] =	vst.idx.add.f32.msk $0xffff, v29;
	v29 =	vor.u32 $0x80, v33  }
0x155: {  	v45 =	vor.u32 $0x100, v34;
	v31 =	vmul.f32 v17, v31;
	v30 =	vshll.u32 v44, $0x2;
	[tilespmem:v27+s19+$0x0] =	vst.idx.add.f32.msk $0xffff, v23  }
0x156: {  	v50 =	vsub.s32 v4, v0;
	v23 =	vnsel vm0, $0x0, v51;
	v36 =	vld.idx.msk [tilespmem:v36+s13+$0x0], $0xffff  }
0x157: {  	v23 =	vmin.u32 v23, $0x13F;
	v37 =	vshll.u32 v26, $0x2;
	[tilespmem:v40+s19+$0x0] =	vst.idx.add.f32.msk $0xffff, v31;
	v31 =	vmul.f32 v13, v41  }
0x158: {  	vm0 =	vgt.s32 v50, $0x0;
	v40 =	vshll.u32 v20, $0x2;
	v52 =	vsub.s32 v20, v0;
	v41 =	vld.idx.msk [tilespmem:v28+s13+$0x0], $0xffff  }
0x159: {  	v46 =	vor.u32 $0x80, v27;
	v28 =	vand.u32 $0xFFFFFE00, v40;
	vm1 =	vgt.s32 v52, $0x0;
	[tilespmem:v42+s19+$0x0] =	vst.idx.add.f32.msk $0xffff, v31  }
0x15a: {  	v53 =	vnsel vm0, $0x0, v50;
	v54 =	vnsel vm1, $0x0, v52;
	v45 =	vld.idx.msk [tilespmem:v45+s13+$0x0], $0xffff  }
0x15b: {  	v29 =	vld.idx.msk [tilespmem:v29+s13+$0x0], $0xffff  }
0x15c: {  	v36 =	vmul.f32 v18, v36;
	v40 =	vld.idx.msk [tilespmem:v22+s3+$0x0], $0xffff  }
0x15d: {  	v47 =	vor.u32 $0x100, v32;
	v31 =	vld.idx.msk [tilespmem:v3+s12+$0x0], $0xffff  }
0x15e: {  	v48 =	vor.u32 $0x100, v39;
	[tilespmem:v46+s19+$0x0] =	vst.idx.add.f32.msk $0xffff, v36;
	v46 =	vmul.f32 v17, v41  }
0x15f: {  	v55 =	vor.u32 $0x80, v19;
	v42 =	vld.idx.msk [tilespmem:v20+s12+$0x0], $0xffff  }
0x160: {  	v56 =	vor.u32 $0x100, v33;
	v45 =	vmul.f32 v13, v45;
	v41 =	vld.idx.msk [tilespmem:v44+s3+$0x0], $0xffff  }
0x161: {  	v57 =	vor.u32 $0x100, v35;
	v29 =	vmul.f32 v8, v29;
	v36 =	vld.idx.msk [tilespmem:v21+s3+$0x0], $0xffff  }
0x162: {  	v47 =	vld.idx.msk [tilespmem:v47+s13+$0x0], $0xffff  }
0x163: {  	v58 =	vor.u32 $0x180, v38;
	[tilespmem:v48+s19+$0x0] =	vst.idx.add.f32.msk $0xffff, v46  }
0x164: {  	v38 =	vshll.u32 v22, $0x2;
	[tilespmem:v55+s19+$0x0] =	vst.idx.add.f32.msk $0xffff, v29;
	v29 =	vor.u32 $0x180, v34  }
0x165: {  	v34 =	vand.u32 $0xFFFFFE00, v38;
	v55 =	vor.u32 $0x100, v27;
	v56 =	vld.idx.msk [tilespmem:v56+s13+$0x0], $0xffff  }
0x166: {  	v32 =	vor.u32 $0x180, v32;
	v38 =	vand.u32 $0x7F, v44;
	[tilespmem:v57+s19+$0x0] =	vst.idx.add.f32.msk $0xffff, v45  }
0x167: {  	v48 =	vld.idx.msk [tilespmem:v11+s12+$0x0], $0xffff  }
.Ltmp2:
0x168: {  	v46 =	vor.u32 $0x100, v19;
	v57 =	vmul.f32 v18, v47;
	v47 =	vld.idx.msk [tilespmem:v58+s13+$0x0], $0xffff;
	(pc) =	sbr.rel @p0 .LBB2_7-.Ltmp2, $4  }
0x169: {  	vm0 =	vlt.u32 v6, $0x140;
	v6 =	vmov v50;
	v44 =	vor.u32 $0x180, v33;
	v45 =	vld.idx.msk [tilespmem:v29+s13+$0x0], $0xffff  }
0x16a: {  	vm1 =	vlt.u32 v2, $0x140;
	v2 =	vmovc v43;
	v33 =	vmin.u32 v5, $0x13F;
	v5 =	vmovc v49;
	v29 =	vmin.u32 v9, $0x13F;
	[tilespmem:v55+s19+$0x0] =	vst.idx.add.f32.msk $0xffff, v57  }
0x16b: {  	vm3 =	vlt.u32 v7, $0x140;
	v39 =	vor.u32 $0x180, v39;
	v7 =	vmovc v51;
	v9 =	vmovc v53;
	v50 =	vmul.f32 v8, v56;
	v43 =	vld.idx.msk [tilespmem:v32+s13+$0x0], $0xffff  }
0x16c: {  	vm2 =	vlt.u32 v10, $0x140;
	v10 =	vmovc v52;
	v32 =	vor.u32 $0x180, v35;
	v35 =	vmin.u32 v12, $0x13F;
	v12 =	vmovc v54;
	v49 =	vld.idx.msk [tilespmem:v4+s12+$0x0], $0xffff  }
0x16d: {  	_ =	sdelay $0x2  }
0x16e: {  	v40 =	vadd.f32 v42, v40  }
0x16f: {  	v41 =	vadd.f32 v48, v41;
	v61 =	vld.idx.msk [tilespmem:v26+s3+$0x0], $0xffff  }
0x170: {  	v47 =	vmul.f32 v47, v17;
	v30 =	vand.u32 $0xFFFFFE00, v30;
	v62 =	vmul.f32 $2.000000030e-01, v40  }
0x171: {  	v22 =	vand.u32 $0x7F, v22;
	v51 =	vmul.f32 $2.000000030e-01, v41;
	vm4 =	vgt.f32 v40, $0.0e+00  }
0x172: {  	v30 =	vor.u32 v38, v30;
	vm5 =	vgt.f32 v41, $0.0e+00;
	v40 =	vsel vm4, v40, v62  }
0x173: {  	v41 =	vsel vm5, v41, v51;
	v36 =	vadd.f32 v49, v36;
	v40 =	vmul.f32 $1.442695020e+00, v40  }
0x174: {  	[tilespmem:v46+s19+$0x0] =	vst.idx.add.f32.msk $0xffff, v50;
	v46 =	vmul.f32 v45, v13;
	v41 =	vmul.f32 $1.442695020e+00, v41;
	v31 =	vadd.f32 v31, v61  }
0x175: {  	v22 =	vor.u32 v22, v34;
	v63 =	vmul.f32 $2.000000030e-01, v36;
	(erf) = vpow2.f32 v40  }
0x176: {  	vm10 =	vgt.f32 v36, $0.0e+00;
	v48 =	vmul.f32 $2.000000030e-01, v31;
	(erf) = vpow2.f32 v41  }
0x177: {  	v27 =	vor.u32 $0x180, v27;
	[tilespmem:v39+s19+$0x0] =	vst.idx.add.f32.msk $0xffff, v47;
	vm11 =	vgt.f32 v31, $0.0e+00;
	v36 =	vsel vm10, v36, v63  }
0x178: {  	v21 =	vand.u32 $0x7F, v21;
	[tilespmem:v32+s19+$0x0] =	vst.idx.add.f32.msk $0xffff, v46;
	v31 =	vsel vm11, v31, v48;
	v50 =	vmul.f32 $1.442695020e+00, v36  }
0x179: {  	v37 =	vand.u32 $0xFFFFFE00, v37;
	v21 =	vor.u32 v21, v25;
	[tilespmem:v15+s20+$0x0] =	vst.idx.add.f32.msk vm3, v17;
	v31 =	vmul.f32 $1.442695020e+00, v31  }
0x17a: {  	v56 =	vand.u32 $0x7F, v20;
	v51 =	vand.u32 $0x7F, v26;
	v54 =	vld.idx.msk [tilespmem:v22+s13+$0x0], $0xffff;
	(erf) = vpow2.f32 v50  }
0x17b: {  	v52 =	vmul.f32 v43, v18;
	v26 =	vor.u32 v51, v37;
	v53 =	vld.idx.msk [tilespmem:v30+s13+$0x0], $0xffff;
	(erf) = vpow2.f32 v31  }
0x17c: {  	v11 =	vand.u32 $0x7F, v11;
	[tilespmem:v35+s20+$0x0] =	vst.idx.add.f32.msk vm2, v13;
	v13 =	vor.u32 v56, v28  }
0x17d: {  	v11 =	vor.u32 v11, v24;
	[tilespmem:v27+s19+$0x0] =	vst.idx.add.f32.msk $0xffff, v52  }
0x17e: {  	v59 =	vor.u32 $0x80, v22;
	v57 =	vld.idx.msk [tilespmem:v21+s13+$0x0], $0xffff;
	v24 =	vpop (erf)  }
0x17f: {  	v55 =	vor.u32 $0x80, v30;
	[tilespmem:v33+s20+$0x0] =	vst.idx.add.f32.msk vm1, v18;
	v20 =	vpop (erf);
	v60 =	vmul.f32 v24, v54  }
0x180: {  	v4 =	vand.u32 $0x7F, v4;
	v58 =	vld.idx.msk [tilespmem:v26+s13+$0x0], $0xffff;
	v25 =	vmul.f32 v20, v53  }
0x181: {  	v3 =	vand.u32 $0x7F, v3;
	v4 =	vor.u32 v4, v14;
	[tilespmem:v13+s19+$0x0] =	vst.idx.add.f32.msk $0xffff, v60  }
0x182: {  	v3 =	vor.u32 v3, v16;
	[tilespmem:v11+s19+$0x0] =	vst.idx.add.f32.msk $0xffff, v25  }
0x183: {  	v39 =	vor.u32 $0x80, v21;
	v16 =	vpop (erf);
	v37 =	vld.idx.msk [tilespmem:v59+s13+$0x0], $0xffff  }
0x184: {  	v62 =	vor.u32 $0x80, v26;
	v61 =	vld.idx.msk [tilespmem:v55+s13+$0x0], $0xffff;
	v18 =	vpop (erf);
	v36 =	vmul.f32 v16, v57  }
0x185: {  	v49 =	vld.idx.msk [tilespmem:v44+s13+$0x0], $0xffff;
	v40 =	vor.u32 $0x80, v13;
	v28 =	vmul.f32 v18, v58  }
0x186: {  	v63 =	vor.u32 $0x80, v11;
	[tilespmem:v4+s19+$0x0] =	vst.idx.add.f32.msk $0xffff, v36  }
0x187: {  	v41 =	vor.u32 $0x100, v22;
	[tilespmem:v3+s19+$0x0] =	vst.idx.add.f32.msk $0xffff, v28  }
0x188: {  	v38 =	vor.u32 $0x100, v30;
	v25 =	vld.idx.msk [tilespmem:v39+s13+$0x0], $0xffff;
	v43 =	vmul.f32 v24, v37  }
0x189: {  	v19 =	vor.u32 $0x180, v19;
	v17 =	vld.idx.msk [tilespmem:v62+s13+$0x0], $0xffff;
	v15 =	vmul.f32 v20, v61  }
0x18a: {  	v48 =	vor.u32 $0x80, v4;
	[tilespmem:v40+s19+$0x0] =	vst.idx.add.f32.msk $0xffff, v43  }
0x18b: {  	v44 =	vor.u32 $0x80, v3;
	[tilespmem:v63+s19+$0x0] =	vst.idx.add.f32.msk $0xffff, v15  }
0x18c: {  	v45 =	vor.u32 $0x100, v26;
	v46 =	vmul.f32 v49, v8;
	v28 =	vld.idx.msk [tilespmem:v41+s13+$0x0], $0xffff  }
0x18d: {  	v49 =	vor.u32 $0x100, v21;
	v15 =	vld.idx.msk [tilespmem:v38+s13+$0x0], $0xffff;
	v25 =	vmul.f32 v16, v25  }
0x18e: {  	[tilespmem:v19+s19+$0x0] =	vst.idx.add.f32.msk $0xffff, v46;
	v50 =	vor.u32 $0x100, v13;
	v17 =	vmul.f32 v18, v17  }
0x18f: {  	v47 =	vor.u32 $0x100, v11;
	[tilespmem:v48+s19+$0x0] =	vst.idx.add.f32.msk $0xffff, v25  }
0x190: {  	v51 =	vor.u32 $0x180, v22;
	[tilespmem:v44+s19+$0x0] =	vst.idx.add.f32.msk $0xffff, v17  }
0x191: {  	v30 =	vor.u32 $0x180, v30;
	v27 =	vld.idx.msk [tilespmem:v45+s13+$0x0], $0xffff;
	v52 =	vmul.f32 v24, v28  }
0x192: {  	v19 =	vld.idx.msk [tilespmem:v49+s13+$0x0], $0xffff;
	v15 =	vmul.f32 v20, v15  }
0x193: {  	v53 =	vor.u32 $0x100, v3;
	[tilespmem:v50+s19+$0x0] =	vst.idx.add.f32.msk $0xffff, v52  }
0x194: {  	v54 =	vor.u32 $0x180, v26;
	[tilespmem:v47+s19+$0x0] =	vst.idx.add.f32.msk $0xffff, v15  }
0x195: {  	v56 =	vor.u32 $0x100, v4;
	v14 =	vld.idx.msk [tilespmem:v51+s13+$0x0], $0xffff  }
0x196: {  	v21 =	vor.u32 $0x180, v21;
	v57 =	vld.idx.msk [tilespmem:v30+s13+$0x0], $0xffff;
	v55 =	vmul.f32 v18, v27  }
0x197: {  	[tilespmem:v29+s20+$0x0] =	vst.idx.add.f32.msk vm0, v8;
	v58 =	vor.u32 $0x180, v13  }
0x198: {  	vm13 =	vlt.u32 v10, $0x140;
	v11 =	vor.u32 $0x180, v11;
	v19 =	vmul.f32 v16, v19;
	[tilespmem:v53+s19+$0x0] =	vst.idx.add.f32.msk $0xffff, v55  }
0x199: {  	vm12 =	vlt.u32 v7, $0x140;
	vm14 =	vlt.u32 v2, $0x140;
	v2 =	vmin.u32 v12, $0x13F;
	v15 =	vld.idx.msk [tilespmem:v54+s13+$0x0], $0xffff  }
0x19a: {  	[tilespmem:v56+s19+$0x0] =	vst.idx.add.f32.msk $0xffff, v19;
	v61 =	vmul.f32 v14, v24  }
0x19b: {  	v3 =	vor.u32 $0x180, v3;
	v60 =	vld.idx.msk [tilespmem:v21+s13+$0x0], $0xffff;
	v59 =	vmul.f32 v57, v20  }
0x19c: {  	v5 =	vmin.u32 v5, $0x13F;
	[tilespmem:v58+s19+$0x0] =	vst.idx.add.f32.msk $0xffff, v61  }
0x19d: {  	vm15 =	vlt.u32 v6, $0x140;
	s23 =	sadd.s32 $0x1, s23;
	v4 =	vor.u32 $0x180, v4;
	[tilespmem:v11+s19+$0x0] =	vst.idx.add.f32.msk $0xffff, v59  }
0x19e: {  	p0 =	sne.s32 s23, $0x19;
	v63 =	vmin.u32 v9, $0x13F;
	[tilespmem:v2+s20+$0x0] =	vst.idx.add.f32.msk vm13, v24;
	v62 =	vmul.f32 v15, v18  }
.Ltmp3:
0x19f: {  	[tilespmem:v23+s20+$0x0] =	vst.idx.add.f32.msk vm12, v20;
	(pc) =	sbr.rel @p0 .LBB2_4-.Ltmp3, $4  }
0x1a0: {  	[tilespmem:v3+s19+$0x0] =	vst.idx.add.f32.msk $0xffff, v62;
	v3 =	vmul.f32 v60, v16  }
0x1a1: {  	[tilespmem:v5+s20+$0x0] =	vst.idx.add.f32.msk vm14, v18  }
0x1a2: {  	[tilespmem:v4+s19+$0x0] =	vst.idx.add.f32.msk $0xffff, v3  }
0x1a3: {  	[tilespmem:v63+s20+$0x0] =	vst.idx.add.f32.msk vm15, v16  }
0x1a4: {  	[hbm4b:s8+s3] =	stream.linear.scatter [tilespmem:s19], [sflag:$0x3], $0x9E00, $0x38;
	[tilespmem:$0x1F080] =	vst v63  }
0x1a5: {  	s22 =	sadd.s32 $0x1, s22;
	_ =	swait.ge [sflag:s11], $0x9E00  }
0x1a6: {  	p0 =	sne.s32 s22, s10;
	[sflag:s11] =	ssyncset.done $0x0  }
.Ltmp4:
0x1a7: {  	[sflag:s11] =	ssyncadd.s32 $0xFFFF6200;
	(pc) =	sbr.rel @p0 .LBB2_1-.Ltmp4, $4  }
0x1a8: {  	[hbm4b:s9+s3] =	stream.linear.scatter [tilespmem:s20], [sflag:$0x3], $0x140, $0x38;
	[tilespmem:$0x1F080] =	vst v63  }
0x1a9: {  	_ =	swait.ge [sflag:s11], $0x140  }
0x1aa: {  	[sflag:s11] =	ssyncset.done $0x0  }
0x1ab: {  	[sflag:s11] =	ssyncadd.s32 $0xFFFFFEC0  }
0x1ac: {  	_ =	sfence.sel $0x180000  }
0x1ad: {  	[bflag:$0x0] =	sbarrier.arrive $0xFFFF  }
0x1ae: {  	p0 =	sne.s32 s0, $0x0;
	_ =	strace $0x90000047  }
0x1af: {  	s0 =	sadd.s32 @!p0 $0x100000, s1;
	[bflag:$0x2] =	sbarrier.arrive $0xFFFF  }
0x1b0: {  	[sflag:s0] =	ssyncadd.tile.s32 @!p0 $0x1;
	_ =	shalt  }
.Lfunc_end2:
_tile_overlayer_lowered:
.L_overlay_start_2:
0x1b1: {  	(tag) =	ssettag $0x2  }
0x1b2: {  	s0 =	rddreg [dreg:$0x0];
	s2 =	stileid.u32  }
0x1b3: {  	s1 =	rddreg [dreg:$0x1];
	p0 =	sne.s32 s2, $0x0  }
0x1b4: {  	s3 =	rddreg [dreg:$0x2];
	[bflag:$0x3] =	sbarrier.arrive $0xFFFF;
	s2 =	simm.s32 @!p0 $0x1C03  }
0x1b5: {  	[timem:s3], [sflag:s2] =	dma.local @!p0 [hbm:s0], s1  }
0x1b6: {  	s0 =	simm.s32 @!p0 $0x3  }
0x1b7: {  	_ =	swait.ge @!p0 [sflag:s0], s1  }
0x1b8: {  	s1 =	ssub.s32 @!p0 $0x0, s1;
	[sflag:s0] =	ssyncset.done @!p0 $0x0  }
0x1b9: {  	[sflag:s0] =	ssyncadd.s32 @!p0 s1  }
0x1ba: {  	[bflag:$0x3] =	sbarrier.arrive $0xFFFF  }
0x1bb: {  	_ =	shalt  }

</sc_bundles>
